<compile_context>
chip_gen: v7x
topology: tpu7x:2x2x1
jax: 0.10.2.dev20260603
libtpu: 0.0.44.dev20260713+nightly
codegen_flags: <defaults>
</compile_context>

<pallas_src>
import functools

import jax
import jax.numpy as jnp
from jax import lax
from jax.experimental import pallas as pl
from jax.experimental.pallas import tpu as pltpu
from jax.experimental.pallas import tpu_sc as plsc

DIM = 128
TOTAL = 4096 * 50
NUM_WORKERS = 32
PER_WORKER = TOTAL // NUM_WORKERS
CHUNK = 80
NCHUNK = PER_WORKER // CHUNK
NBUF = 10
GROUPS = NCHUNK // NBUF

_mesh = plsc.VectorSubcoreMesh(core_axis_name="c", subcore_axis_name="s")


@functools.partial(
    pl.kernel,
    out_type=jax.ShapeDtypeStruct((TOTAL, DIM), jnp.float32),
    mesh=_mesh,
    scratch_types=[
        pltpu.VMEM((PER_WORKER,), jnp.int32),
        [pltpu.VMEM((CHUNK, DIM), jnp.float32) for _ in range(NBUF)],
        [pltpu.SemaphoreType.DMA for _ in range(NBUF)],
        [pltpu.SemaphoreType.DMA for _ in range(NBUF)],
    ],
)
def _gather_kernel(idx_hbm, table_hbm, out_hbm, idx_v, bufs, gsems, wsems):
    wid = lax.axis_index("s") * 2 + lax.axis_index("c")
    base = wid * PER_WORKER
    pltpu.sync_copy(idx_hbm.at[pl.ds(base, PER_WORKER)], idx_v)

    def start_g(j, b):
        pltpu.async_copy(
            table_hbm.at[idx_v.at[pl.ds(j * CHUNK, CHUNK)]], bufs[b], gsems[b]
        )

    def wait_g(b):
        pltpu.make_async_copy(
            table_hbm.at[pl.ds(0, CHUNK)], bufs[b], gsems[b]
        ).wait()

    def start_w(j, b):
        pltpu.async_copy(
            bufs[b], out_hbm.at[pl.ds(base + j * CHUNK, CHUNK)], wsems[b]
        )

    def wait_w(b):
        pltpu.make_async_copy(
            bufs[b], out_hbm.at[pl.ds(base, CHUNK)], wsems[b]
        ).wait()

    for b in range(NBUF - 1):
        start_g(b, b)

    def outer(o, _):
        j0 = o * NBUF
        for b in range(NBUF):
            j = j0 + b
            wait_g(b)
            start_w(j, b)
            jn = j + NBUF - 1
            bn = (b - 1) % NBUF

            @pl.when(jnp.logical_and(jn < NCHUNK, j >= 1))
            def _():
                wait_w(bn)

            @pl.when(jn < NCHUNK)
            def _():
                start_g(jn, bn)
        return 0

    lax.fori_loop(0, GROUPS, outer, 0)
    for b in range(NBUF):
        wait_w(b)


def kernel(input, length, table):
    b, h = input.shape
    idx = input.astype(jnp.int32).T.reshape(TOTAL)
    out = _gather_kernel(idx, table)
    return out.reshape(h, b, DIM).transpose(1, 0, 2), length

# --- scband reference (transcript-rebuilt; emitter-appended) ---
"""Pipeline reference for scband-embedding-73048803770946 (READ-ONLY COPY).

The authoritative reference and input builder live on the scoring server;
editing this copy changes nothing except your own understanding.
"""

import jax, jax.numpy as jnp
import numpy as np

NUM_EMBEDDING = 100000
EMBEDDING_DIM = 128
BATCH = 4096
HIST_LEN = 50

def setup_inputs(seed: int = 0) -> dict:
    key = jax.random.key(seed)
    k1, k2, k3 = jax.random.split(key, 3)
    inp = jax.random.randint(k1, (BATCH, HIST_LEN), 0, NUM_EMBEDDING)
    length = jax.random.randint(k2, (BATCH,), 0, HIST_LEN)
    table = jax.random.normal(k3, (NUM_EMBEDDING, EMBEDDING_DIM), dtype=jnp.float32)
    # padding_idx=0: row 0 of the embedding table is zeroed (torch nn.Embedding padding_idx semantics)
    table = table.at[0].set(0.0)
    return {"input": inp, "length": length, "table": table}

def reference(input, length, table):
    # Faithful translation of Embedding.forward: emb_out = embedding(input); return (emb_out, length)
    emb_out = jnp.take(table, input, axis=0)
    return (emb_out, length)

if __name__ == "__main__":
    import jax
    _d = setup_inputs()
    print(jax.jit(kernel)(*tuple(_d.values())))

</pallas_src>

<mosaic_0001>
#map = affine_map<(d0, d1) -> (0)>
#map1 = affine_map<(d0, d1) -> (0, 0)>
module attributes {stable_mosaic.version = 14 : i64} {
  func.func @_gather_kernel(%arg0: i32, %arg1: i32, %arg2: memref<204800xi32, #tpu.memory_space<hbm>>, %arg3: memref<100000x128xf32, #tpu.memory_space<hbm>>, %arg4: memref<204800x128xf32, #tpu.memory_space<hbm>>, %arg5: memref<6400xi32, #tpu.memory_space<vmem>>, %arg6: memref<80x128xf32, #tpu.memory_space<vmem>>, %arg7: memref<80x128xf32, #tpu.memory_space<vmem>>, %arg8: memref<80x128xf32, #tpu.memory_space<vmem>>, %arg9: memref<80x128xf32, #tpu.memory_space<vmem>>, %arg10: memref<80x128xf32, #tpu.memory_space<vmem>>, %arg11: memref<80x128xf32, #tpu.memory_space<vmem>>, %arg12: memref<80x128xf32, #tpu.memory_space<vmem>>, %arg13: memref<80x128xf32, #tpu.memory_space<vmem>>, %arg14: memref<80x128xf32, #tpu.memory_space<vmem>>, %arg15: memref<80x128xf32, #tpu.memory_space<vmem>>, %arg16: memref<!tpu.dma_semaphore, #tpu.memory_space<semaphore_mem>>, %arg17: memref<!tpu.dma_semaphore, #tpu.memory_space<semaphore_mem>>, %arg18: memref<!tpu.dma_semaphore, #tpu.memory_space<semaphore_mem>>, %arg19: memref<!tpu.dma_semaphore, #tpu.memory_space<semaphore_mem>>, %arg20: memref<!tpu.dma_semaphore, #tpu.memory_space<semaphore_mem>>, %arg21: memref<!tpu.dma_semaphore, #tpu.memory_space<semaphore_mem>>, %arg22: memref<!tpu.dma_semaphore, #tpu.memory_space<semaphore_mem>>, %arg23: memref<!tpu.dma_semaphore, #tpu.memory_space<semaphore_mem>>, %arg24: memref<!tpu.dma_semaphore, #tpu.memory_space<semaphore_mem>>, %arg25: memref<!tpu.dma_semaphore, #tpu.memory_space<semaphore_mem>>, %arg26: memref<!tpu.dma_semaphore, #tpu.memory_space<semaphore_mem>>, %arg27: memref<!tpu.dma_semaphore, #tpu.memory_space<semaphore_mem>>, %arg28: memref<!tpu.dma_semaphore, #tpu.memory_space<semaphore_mem>>, %arg29: memref<!tpu.dma_semaphore, #tpu.memory_space<semaphore_mem>>, %arg30: memref<!tpu.dma_semaphore, #tpu.memory_space<semaphore_mem>>, %arg31: memref<!tpu.dma_semaphore, #tpu.memory_space<semaphore_mem>>, %arg32: memref<!tpu.dma_semaphore, #tpu.memory_space<semaphore_mem>>, %arg33: memref<!tpu.dma_semaphore, #tpu.memory_space<semaphore_mem>>, %arg34: memref<!tpu.dma_semaphore, #tpu.memory_space<semaphore_mem>>, %arg35: memref<!tpu.dma_semaphore, #tpu.memory_space<semaphore_mem>>) attributes {dimension_semantics = [#tpu.dimension_semantics<core_parallel>, #tpu.dimension_semantics<subcore_parallel>], iteration_bounds = array<i64: 2, 16>, scalar_prefetch = 0 : i64, scratch_operands = 31 : i64, tpu.core_type = #tpu.core_type<sc_vector_subcore>, window_params = [{transform_indices = #map}, {transform_indices = #map1}, {transform_indices = #map1}]} {
    %mul3A = arith.constant 2 : i32
    %mul3A_0 = arith.muli %arg1, %mul3A : i32
    %add3A = arith.addi %mul3A_0, %arg0 : i32
    %mul3A_1 = arith.constant 6400 : i32
    %mul3A_2 = arith.muli %add3A, %mul3A_1 : i32
    "tpu.region"() ({
      %run_scoped3A = tpu.sem_alloc : memref<!tpu.dma_semaphore, #tpu.memory_space<semaphore_mem>>
      %dma_start3A_92 = tpu.memref_slice %arg2[%mul3A_2] : memref<204800xi32, #tpu.memory_space<hbm>> -> memref<6400xi32, #tpu.memory_space<hbm>>
      %dma_start3A_93 = tpu.memref_slice %arg2[%mul3A_2] : memref<204800xi32, #tpu.memory_space<hbm>> -> memref<6400xi32, #tpu.memory_space<hbm>>
      tpu.enqueue_dma source(%dma_start3A_93 : memref<6400xi32, #tpu.memory_space<hbm>>) target(%arg5 : memref<6400xi32, #tpu.memory_space<vmem>>) target_semaphore(%run_scoped3A : memref<!tpu.dma_semaphore, #tpu.memory_space<semaphore_mem>>)
      %dma_wait3A_94 = tpu.memref_slice %arg2[%mul3A_2] : memref<204800xi32, #tpu.memory_space<hbm>> -> memref<6400xi32, #tpu.memory_space<hbm>>
      %dma_wait3A_95 = tpu.memref_slice %arg2[%mul3A_2] : memref<204800xi32, #tpu.memory_space<hbm>> -> memref<6400xi32, #tpu.memory_space<hbm>>
      tpu.wait_dma2 semaphore(%run_scoped3A : memref<!tpu.dma_semaphore, #tpu.memory_space<semaphore_mem>>) src(%dma_wait3A_95 : memref<6400xi32, #tpu.memory_space<hbm>>) dst(%arg5 : memref<6400xi32, #tpu.memory_space<vmem>>)
      tpu.yield
    }) : () -> ()
    %dma_start3A = arith.constant 0 : i32
    %dma_start3A_3 = tpu.memref_slice %arg5[%dma_start3A] : memref<6400xi32, #tpu.memory_space<vmem>> -> memref<80xi32, #tpu.memory_space<vmem>>
    %dma_start3A_4 = arith.constant 0 : i32
    %dma_start3A_5 = arith.constant 0 : i32
    %dma_start3A_6 = tpu.memref_slice %arg3[%dma_start3A_4, %dma_start3A_5] : memref<100000x128xf32, #tpu.memory_space<hbm>> -> memref<100000x128xf32, #tpu.memory_space<hbm>>
    tpu.enqueue_indirect_dma source(%dma_start3A_6 : memref<100000x128xf32, #tpu.memory_space<hbm>>) target(%arg6 : memref<80x128xf32, #tpu.memory_space<vmem>>) offsets(%dma_start3A_3 : memref<80xi32, #tpu.memory_space<vmem>>) semaphore(%arg16 : memref<!tpu.dma_semaphore, #tpu.memory_space<semaphore_mem>>)
    %dma_start3A_7 = arith.constant 80 : i32
    %dma_start3A_8 = tpu.memref_slice %arg5[%dma_start3A_7] : memref<6400xi32, #tpu.memory_space<vmem>> -> memref<80xi32, #tpu.memory_space<vmem>>
    %dma_start3A_9 = arith.constant 0 : i32
    %dma_start3A_10 = arith.constant 0 : i32
    %dma_start3A_11 = tpu.memref_slice %arg3[%dma_start3A_9, %dma_start3A_10] : memref<100000x128xf32, #tpu.memory_space<hbm>> -> memref<100000x128xf32, #tpu.memory_space<hbm>>
    tpu.enqueue_indirect_dma source(%dma_start3A_11 : memref<100000x128xf32, #tpu.memory_space<hbm>>) target(%arg7 : memref<80x128xf32, #tpu.memory_space<vmem>>) offsets(%dma_start3A_8 : memref<80xi32, #tpu.memory_space<vmem>>) semaphore(%arg17 : memref<!tpu.dma_semaphore, #tpu.memory_space<semaphore_mem>>)
    %dma_start3A_12 = arith.constant 160 : i32
    %dma_start3A_13 = tpu.memref_slice %arg5[%dma_start3A_12] : memref<6400xi32, #tpu.memory_space<vmem>> -> memref<80xi32, #tpu.memory_space<vmem>>
    %dma_start3A_14 = arith.constant 0 : i32
    %dma_start3A_15 = arith.constant 0 : i32
    %dma_start3A_16 = tpu.memref_slice %arg3[%dma_start3A_14, %dma_start3A_15] : memref<100000x128xf32, #tpu.memory_space<hbm>> -> memref<100000x128xf32, #tpu.memory_space<hbm>>
    tpu.enqueue_indirect_dma source(%dma_start3A_16 : memref<100000x128xf32, #tpu.memory_space<hbm>>) target(%arg8 : memref<80x128xf32, #tpu.memory_space<vmem>>) offsets(%dma_start3A_13 : memref<80xi32, #tpu.memory_space<vmem>>) semaphore(%arg18 : memref<!tpu.dma_semaphore, #tpu.memory_space<semaphore_mem>>)
    %dma_start3A_17 = arith.constant 240 : i32
    %dma_start3A_18 = tpu.memref_slice %arg5[%dma_start3A_17] : memref<6400xi32, #tpu.memory_space<vmem>> -> memref<80xi32, #tpu.memory_space<vmem>>
    %dma_start3A_19 = arith.constant 0 : i32
    %dma_start3A_20 = arith.constant 0 : i32
    %dma_start3A_21 = tpu.memref_slice %arg3[%dma_start3A_19, %dma_start3A_20] : memref<100000x128xf32, #tpu.memory_space<hbm>> -> memref<100000x128xf32, #tpu.memory_space<hbm>>
    tpu.enqueue_indirect_dma source(%dma_start3A_21 : memref<100000x128xf32, #tpu.memory_space<hbm>>) target(%arg9 : memref<80x128xf32, #tpu.memory_space<vmem>>) offsets(%dma_start3A_18 : memref<80xi32, #tpu.memory_space<vmem>>) semaphore(%arg19 : memref<!tpu.dma_semaphore, #tpu.memory_space<semaphore_mem>>)
    %dma_start3A_22 = arith.constant 320 : i32
    %dma_start3A_23 = tpu.memref_slice %arg5[%dma_start3A_22] : memref<6400xi32, #tpu.memory_space<vmem>> -> memref<80xi32, #tpu.memory_space<vmem>>
    %dma_start3A_24 = arith.constant 0 : i32
    %dma_start3A_25 = arith.constant 0 : i32
    %dma_start3A_26 = tpu.memref_slice %arg3[%dma_start3A_24, %dma_start3A_25] : memref<100000x128xf32, #tpu.memory_space<hbm>> -> memref<100000x128xf32, #tpu.memory_space<hbm>>
    tpu.enqueue_indirect_dma source(%dma_start3A_26 : memref<100000x128xf32, #tpu.memory_space<hbm>>) target(%arg10 : memref<80x128xf32, #tpu.memory_space<vmem>>) offsets(%dma_start3A_23 : memref<80xi32, #tpu.memory_space<vmem>>) semaphore(%arg20 : memref<!tpu.dma_semaphore, #tpu.memory_space<semaphore_mem>>)
    %dma_start3A_27 = arith.constant 400 : i32
    %dma_start3A_28 = tpu.memref_slice %arg5[%dma_start3A_27] : memref<6400xi32, #tpu.memory_space<vmem>> -> memref<80xi32, #tpu.memory_space<vmem>>
    %dma_start3A_29 = arith.constant 0 : i32
    %dma_start3A_30 = arith.constant 0 : i32
    %dma_start3A_31 = tpu.memref_slice %arg3[%dma_start3A_29, %dma_start3A_30] : memref<100000x128xf32, #tpu.memory_space<hbm>> -> memref<100000x128xf32, #tpu.memory_space<hbm>>
    tpu.enqueue_indirect_dma source(%dma_start3A_31 : memref<100000x128xf32, #tpu.memory_space<hbm>>) target(%arg11 : memref<80x128xf32, #tpu.memory_space<vmem>>) offsets(%dma_start3A_28 : memref<80xi32, #tpu.memory_space<vmem>>) semaphore(%arg21 : memref<!tpu.dma_semaphore, #tpu.memory_space<semaphore_mem>>)
    %dma_start3A_32 = arith.constant 480 : i32
    %dma_start3A_33 = tpu.memref_slice %arg5[%dma_start3A_32] : memref<6400xi32, #tpu.memory_space<vmem>> -> memref<80xi32, #tpu.memory_space<vmem>>
    %dma_start3A_34 = arith.constant 0 : i32
    %dma_start3A_35 = arith.constant 0 : i32
    %dma_start3A_36 = tpu.memref_slice %arg3[%dma_start3A_34, %dma_start3A_35] : memref<100000x128xf32, #tpu.memory_space<hbm>> -> memref<100000x128xf32, #tpu.memory_space<hbm>>
    tpu.enqueue_indirect_dma source(%dma_start3A_36 : memref<100000x128xf32, #tpu.memory_space<hbm>>) target(%arg12 : memref<80x128xf32, #tpu.memory_space<vmem>>) offsets(%dma_start3A_33 : memref<80xi32, #tpu.memory_space<vmem>>) semaphore(%arg22 : memref<!tpu.dma_semaphore, #tpu.memory_space<semaphore_mem>>)
    %dma_start3A_37 = arith.constant 560 : i32
    %dma_start3A_38 = tpu.memref_slice %arg5[%dma_start3A_37] : memref<6400xi32, #tpu.memory_space<vmem>> -> memref<80xi32, #tpu.memory_space<vmem>>
    %dma_start3A_39 = arith.constant 0 : i32
    %dma_start3A_40 = arith.constant 0 : i32
    %dma_start3A_41 = tpu.memref_slice %arg3[%dma_start3A_39, %dma_start3A_40] : memref<100000x128xf32, #tpu.memory_space<hbm>> -> memref<100000x128xf32, #tpu.memory_space<hbm>>
    tpu.enqueue_indirect_dma source(%dma_start3A_41 : memref<100000x128xf32, #tpu.memory_space<hbm>>) target(%arg13 : memref<80x128xf32, #tpu.memory_space<vmem>>) offsets(%dma_start3A_38 : memref<80xi32, #tpu.memory_space<vmem>>) semaphore(%arg23 : memref<!tpu.dma_semaphore, #tpu.memory_space<semaphore_mem>>)
    %dma_start3A_42 = arith.constant 640 : i32
    %dma_start3A_43 = tpu.memref_slice %arg5[%dma_start3A_42] : memref<6400xi32, #tpu.memory_space<vmem>> -> memref<80xi32, #tpu.memory_space<vmem>>
    %dma_start3A_44 = arith.constant 0 : i32
    %dma_start3A_45 = arith.constant 0 : i32
    %dma_start3A_46 = tpu.memref_slice %arg3[%dma_start3A_44, %dma_start3A_45] : memref<100000x128xf32, #tpu.memory_space<hbm>> -> memref<100000x128xf32, #tpu.memory_space<hbm>>
    tpu.enqueue_indirect_dma source(%dma_start3A_46 : memref<100000x128xf32, #tpu.memory_space<hbm>>) target(%arg14 : memref<80x128xf32, #tpu.memory_space<vmem>>) offsets(%dma_start3A_43 : memref<80xi32, #tpu.memory_space<vmem>>) semaphore(%arg24 : memref<!tpu.dma_semaphore, #tpu.memory_space<semaphore_mem>>)
    %scan3A = arith.constant 0 : i32
    %scan3A_47 = arith.constant 0 : i32
    %scan3A_48 = arith.constant 8 : i32
    %scan3A_49 = arith.addi %scan3A_47, %scan3A_48 : i32
    %scan3A_50 = arith.constant 1 : i32
    %scan3A_51 = scf.for %scan3A_92 = %scan3A_47 to %scan3A_49 step %scan3A_50 iter_args(%scan3A_93 = %scan3A) -> (i32)  : i32 {
      %mul3A_94 = arith.constant 10 : i32
      %mul3A_95 = arith.muli %scan3A_92, %mul3A_94 : i32
      %add3A_96 = arith.constant 0 : i32
      %add3A_97 = arith.addi %mul3A_95, %add3A_96 : i32
      %dma_wait3A_98 = arith.constant 0 : i32
      %dma_wait3A_99 = arith.constant 0 : i32
      %dma_wait3A_100 = tpu.memref_slice %arg3[%dma_wait3A_98, %dma_wait3A_99] : memref<100000x128xf32, #tpu.memory_space<hbm>> -> memref<80x128xf32, #tpu.memory_space<hbm>>
      %dma_wait3A_101 = arith.constant 0 : i32
      %dma_wait3A_102 = arith.constant 0 : i32
      %dma_wait3A_103 = tpu.memref_slice %arg3[%dma_wait3A_101, %dma_wait3A_102] : memref<100000x128xf32, #tpu.memory_space<hbm>> -> memref<80x128xf32, #tpu.memory_space<hbm>>
      tpu.wait_dma2 semaphore(%arg16 : memref<!tpu.dma_semaphore, #tpu.memory_space<semaphore_mem>>) src(%dma_wait3A_103 : memref<80x128xf32, #tpu.memory_space<hbm>>) dst(%arg6 : memref<80x128xf32, #tpu.memory_space<vmem>>)
      %mul3A_104 = arith.constant 80 : i32
      %mul3A_105 = arith.muli %add3A_97, %mul3A_104 : i32
      %add3A_106 = arith.addi %mul3A_2, %mul3A_105 : i32
      %dma_start3A_107 = arith.constant 0 : i32
      %dma_start3A_108 = tpu.memref_slice %arg4[%add3A_106, %dma_start3A_107] : memref<204800x128xf32, #tpu.memory_space<hbm>> -> memref<80x128xf32, #tpu.memory_space<hbm>>
      %dma_start3A_109 = arith.constant 0 : i32
      %dma_start3A_110 = tpu.memref_slice %arg4[%add3A_106, %dma_start3A_109] : memref<204800x128xf32, #tpu.memory_space<hbm>> -> memref<80x128xf32, #tpu.memory_space<hbm>>
      tpu.enqueue_dma source(%arg6 : memref<80x128xf32, #tpu.memory_space<vmem>>) target(%dma_start3A_110 : memref<80x128xf32, #tpu.memory_space<hbm>>) target_semaphore(%arg26 : memref<!tpu.dma_semaphore, #tpu.memory_space<semaphore_mem>>)
      %add3A_111 = arith.constant 10 : i32
      %add3A_112 = arith.addi %add3A_97, %add3A_111 : i32
      %sub3A = arith.constant 1 : i32
      %sub3A_113 = arith.subi %add3A_112, %sub3A : i32
      %lt3A = arith.constant 80 : i32
      %lt3A_114 = arith.cmpi slt, %sub3A_113, %lt3A : i32
      %ge3A = arith.constant 1 : i32
      %ge3A_115 = arith.cmpi sge, %add3A_97, %ge3A : i32
      %and3A = arith.andi %lt3A_114, %ge3A_115 : i1
      %convert_element_type3A = arith.extui %and3A : i1 to i32
      %cond3A = arith.constant 0 : i32
      %cond3A_116 = arith.cmpi ne, %convert_element_type3A, %cond3A : i32
      scf.if %cond3A_116 {
        %dma_wait3A_411 = arith.constant 0 : i32
        %dma_wait3A_412 = tpu.memref_slice %arg4[%mul3A_2, %dma_wait3A_411] : memref<204800x128xf32, #tpu.memory_space<hbm>> -> memref<80x128xf32, #tpu.memory_space<hbm>>
        %dma_wait3A_413 = arith.constant 0 : i32
        %dma_wait3A_414 = tpu.memref_slice %arg4[%mul3A_2, %dma_wait3A_413] : memref<204800x128xf32, #tpu.memory_space<hbm>> -> memref<80x128xf32, #tpu.memory_space<hbm>>
        tpu.wait_dma2 semaphore(%arg35 : memref<!tpu.dma_semaphore, #tpu.memory_space<semaphore_mem>>) src(%arg15 : memref<80x128xf32, #tpu.memory_space<vmem>>) dst(%dma_wait3A_414 : memref<80x128xf32, #tpu.memory_space<hbm>>)
      } else {
      }
      %lt3A_117 = arith.constant 80 : i32
      %lt3A_118 = arith.cmpi slt, %sub3A_113, %lt3A_117 : i32
      %convert_element_type3A_119 = arith.extui %lt3A_118 : i1 to i32
      %cond3A_120 = arith.constant 0 : i32
      %cond3A_121 = arith.cmpi ne, %convert_element_type3A_119, %cond3A_120 : i32
      scf.if %cond3A_121 {
        %mul3A_411 = arith.constant 80 : i32
        %mul3A_412 = arith.muli %sub3A_113, %mul3A_411 : i32
        %dma_start3A_413 = tpu.memref_slice %arg5[%mul3A_412] : memref<6400xi32, #tpu.memory_space<vmem>> -> memref<80xi32, #tpu.memory_space<vmem>>
        %dma_start3A_414 = arith.constant 0 : i32
        %dma_start3A_415 = arith.constant 0 : i32
        %dma_start3A_416 = tpu.memref_slice %arg3[%dma_start3A_414, %dma_start3A_415] : memref<100000x128xf32, #tpu.memory_space<hbm>> -> memref<100000x128xf32, #tpu.memory_space<hbm>>
        tpu.enqueue_indirect_dma source(%dma_start3A_416 : memref<100000x128xf32, #tpu.memory_space<hbm>>) target(%arg15 : memref<80x128xf32, #tpu.memory_space<vmem>>) offsets(%dma_start3A_413 : memref<80xi32, #tpu.memory_space<vmem>>) semaphore(%arg25 : memref<!tpu.dma_semaphore, #tpu.memory_space<semaphore_mem>>)
      } else {
      }
      %add3A_122 = arith.constant 1 : i32
      %add3A_123 = arith.addi %mul3A_95, %add3A_122 : i32
      %dma_wait3A_124 = arith.constant 0 : i32
      %dma_wait3A_125 = arith.constant 0 : i32
      %dma_wait3A_126 = tpu.memref_slice %arg3[%dma_wait3A_124, %dma_wait3A_125] : memref<100000x128xf32, #tpu.memory_space<hbm>> -> memref<80x128xf32, #tpu.memory_space<hbm>>
      %dma_wait3A_127 = arith.constant 0 : i32
      %dma_wait3A_128 = arith.constant 0 : i32
      %dma_wait3A_129 = tpu.memref_slice %arg3[%dma_wait3A_127, %dma_wait3A_128] : memref<100000x128xf32, #tpu.memory_space<hbm>> -> memref<80x128xf32, #tpu.memory_space<hbm>>
      tpu.wait_dma2 semaphore(%arg17 : memref<!tpu.dma_semaphore, #tpu.memory_space<semaphore_mem>>) src(%dma_wait3A_129 : memref<80x128xf32, #tpu.memory_space<hbm>>) dst(%arg7 : memref<80x128xf32, #tpu.memory_space<vmem>>)
      %mul3A_130 = arith.constant 80 : i32
      %mul3A_131 = arith.muli %add3A_123, %mul3A_130 : i32
      %add3A_132 = arith.addi %mul3A_2, %mul3A_131 : i32
      %dma_start3A_133 = arith.constant 0 : i32
      %dma_start3A_134 = tpu.memref_slice %arg4[%add3A_132, %dma_start3A_133] : memref<204800x128xf32, #tpu.memory_space<hbm>> -> memref<80x128xf32, #tpu.memory_space<hbm>>
      %dma_start3A_135 = arith.constant 0 : i32
      %dma_start3A_136 = tpu.memref_slice %arg4[%add3A_132, %dma_start3A_135] : memref<204800x128xf32, #tpu.memory_space<hbm>> -> memref<80x128xf32, #tpu.memory_space<hbm>>
      tpu.enqueue_dma source(%arg7 : memref<80x128xf32, #tpu.memory_space<vmem>>) target(%dma_start3A_136 : memref<80x128xf32, #tpu.memory_space<hbm>>) target_semaphore(%arg27 : memref<!tpu.dma_semaphore, #tpu.memory_space<semaphore_mem>>)
      %add3A_137 = arith.constant 10 : i32
      %add3A_138 = arith.addi %add3A_123, %add3A_137 : i32
      %sub3A_139 = arith.constant 1 : i32
      %sub3A_140 = arith.subi %add3A_138, %sub3A_139 : i32
      %lt3A_141 = arith.constant 80 : i32
      %lt3A_142 = arith.cmpi slt, %sub3A_140, %lt3A_141 : i32
      %ge3A_143 = arith.constant 1 : i32
      %ge3A_144 = arith.cmpi sge, %add3A_123, %ge3A_143 : i32
      %and3A_145 = arith.andi %lt3A_142, %ge3A_144 : i1
      %convert_element_type3A_146 = arith.extui %and3A_145 : i1 to i32
      %cond3A_147 = arith.constant 0 : i32
      %cond3A_148 = arith.cmpi ne, %convert_element_type3A_146, %cond3A_147 : i32
      scf.if %cond3A_148 {
        %dma_wait3A_411 = arith.constant 0 : i32
        %dma_wait3A_412 = tpu.memref_slice %arg4[%mul3A_2, %dma_wait3A_411] : memref<204800x128xf32, #tpu.memory_space<hbm>> -> memref<80x128xf32, #tpu.memory_space<hbm>>
        %dma_wait3A_413 = arith.constant 0 : i32
        %dma_wait3A_414 = tpu.memref_slice %arg4[%mul3A_2, %dma_wait3A_413] : memref<204800x128xf32, #tpu.memory_space<hbm>> -> memref<80x128xf32, #tpu.memory_space<hbm>>
        tpu.wait_dma2 semaphore(%arg26 : memref<!tpu.dma_semaphore, #tpu.memory_space<semaphore_mem>>) src(%arg6 : memref<80x128xf32, #tpu.memory_space<vmem>>) dst(%dma_wait3A_414 : memref<80x128xf32, #tpu.memory_space<hbm>>)
      } else {
      }
      %lt3A_149 = arith.constant 80 : i32
      %lt3A_150 = arith.cmpi slt, %sub3A_140, %lt3A_149 : i32
      %convert_element_type3A_151 = arith.extui %lt3A_150 : i1 to i32
      %cond3A_152 = arith.constant 0 : i32
      %cond3A_153 = arith.cmpi ne, %convert_element_type3A_151, %cond3A_152 : i32
      scf.if %cond3A_153 {
        %mul3A_411 = arith.constant 80 : i32
        %mul3A_412 = arith.muli %sub3A_140, %mul3A_411 : i32
        %dma_start3A_413 = tpu.memref_slice %arg5[%mul3A_412] : memref<6400xi32, #tpu.memory_space<vmem>> -> memref<80xi32, #tpu.memory_space<vmem>>
        %dma_start3A_414 = arith.constant 0 : i32
        %dma_start3A_415 = arith.constant 0 : i32
        %dma_start3A_416 = tpu.memref_slice %arg3[%dma_start3A_414, %dma_start3A_415] : memref<100000x128xf32, #tpu.memory_space<hbm>> -> memref<100000x128xf32, #tpu.memory_space<hbm>>
        tpu.enqueue_indirect_dma source(%dma_start3A_416 : memref<100000x128xf32, #tpu.memory_space<hbm>>) target(%arg6 : memref<80x128xf32, #tpu.memory_space<vmem>>) offsets(%dma_start3A_413 : memref<80xi32, #tpu.memory_space<vmem>>) semaphore(%arg16 : memref<!tpu.dma_semaphore, #tpu.memory_space<semaphore_mem>>)
      } else {
      }
      %add3A_154 = arith.constant 2 : i32
      %add3A_155 = arith.addi %mul3A_95, %add3A_154 : i32
      %dma_wait3A_156 = arith.constant 0 : i32
      %dma_wait3A_157 = arith.constant 0 : i32
      %dma_wait3A_158 = tpu.memref_slice %arg3[%dma_wait3A_156, %dma_wait3A_157] : memref<100000x128xf32, #tpu.memory_space<hbm>> -> memref<80x128xf32, #tpu.memory_space<hbm>>
      %dma_wait3A_159 = arith.constant 0 : i32
      %dma_wait3A_160 = arith.constant 0 : i32
      %dma_wait3A_161 = tpu.memref_slice %arg3[%dma_wait3A_159, %dma_wait3A_160] : memref<100000x128xf32, #tpu.memory_space<hbm>> -> memref<80x128xf32, #tpu.memory_space<hbm>>
      tpu.wait_dma2 semaphore(%arg18 : memref<!tpu.dma_semaphore, #tpu.memory_space<semaphore_mem>>) src(%dma_wait3A_161 : memref<80x128xf32, #tpu.memory_space<hbm>>) dst(%arg8 : memref<80x128xf32, #tpu.memory_space<vmem>>)
      %mul3A_162 = arith.constant 80 : i32
      %mul3A_163 = arith.muli %add3A_155, %mul3A_162 : i32
      %add3A_164 = arith.addi %mul3A_2, %mul3A_163 : i32
      %dma_start3A_165 = arith.constant 0 : i32
      %dma_start3A_166 = tpu.memref_slice %arg4[%add3A_164, %dma_start3A_165] : memref<204800x128xf32, #tpu.memory_space<hbm>> -> memref<80x128xf32, #tpu.memory_space<hbm>>
      %dma_start3A_167 = arith.constant 0 : i32
      %dma_start3A_168 = tpu.memref_slice %arg4[%add3A_164, %dma_start3A_167] : memref<204800x128xf32, #tpu.memory_space<hbm>> -> memref<80x128xf32, #tpu.memory_space<hbm>>
      tpu.enqueue_dma source(%arg8 : memref<80x128xf32, #tpu.memory_space<vmem>>) target(%dma_start3A_168 : memref<80x128xf32, #tpu.memory_space<hbm>>) target_semaphore(%arg28 : memref<!tpu.dma_semaphore, #tpu.memory_space<semaphore_mem>>)
      %add3A_169 = arith.constant 10 : i32
      %add3A_170 = arith.addi %add3A_155, %add3A_169 : i32
      %sub3A_171 = arith.constant 1 : i32
      %sub3A_172 = arith.subi %add3A_170, %sub3A_171 : i32
      %lt3A_173 = arith.constant 80 : i32
      %lt3A_174 = arith.cmpi slt, %sub3A_172, %lt3A_173 : i32
      %ge3A_175 = arith.constant 1 : i32
      %ge3A_176 = arith.cmpi sge, %add3A_155, %ge3A_175 : i32
      %and3A_177 = arith.andi %lt3A_174, %ge3A_176 : i1
      %convert_element_type3A_178 = arith.extui %and3A_177 : i1 to i32
      %cond3A_179 = arith.constant 0 : i32
      %cond3A_180 = arith.cmpi ne, %convert_element_type3A_178, %cond3A_179 : i32
      scf.if %cond3A_180 {
        %dma_wait3A_411 = arith.constant 0 : i32
        %dma_wait3A_412 = tpu.memref_slice %arg4[%mul3A_2, %dma_wait3A_411] : memref<204800x128xf32, #tpu.memory_space<hbm>> -> memref<80x128xf32, #tpu.memory_space<hbm>>
        %dma_wait3A_413 = arith.constant 0 : i32
        %dma_wait3A_414 = tpu.memref_slice %arg4[%mul3A_2, %dma_wait3A_413] : memref<204800x128xf32, #tpu.memory_space<hbm>> -> memref<80x128xf32, #tpu.memory_space<hbm>>
        tpu.wait_dma2 semaphore(%arg27 : memref<!tpu.dma_semaphore, #tpu.memory_space<semaphore_mem>>) src(%arg7 : memref<80x128xf32, #tpu.memory_space<vmem>>) dst(%dma_wait3A_414 : memref<80x128xf32, #tpu.memory_space<hbm>>)
      } else {
      }
      %lt3A_181 = arith.constant 80 : i32
      %lt3A_182 = arith.cmpi slt, %sub3A_172, %lt3A_181 : i32
      %convert_element_type3A_183 = arith.extui %lt3A_182 : i1 to i32
      %cond3A_184 = arith.constant 0 : i32
      %cond3A_185 = arith.cmpi ne, %convert_element_type3A_183, %cond3A_184 : i32
      scf.if %cond3A_185 {
        %mul3A_411 = arith.constant 80 : i32
        %mul3A_412 = arith.muli %sub3A_172, %mul3A_411 : i32
        %dma_start3A_413 = tpu.memref_slice %arg5[%mul3A_412] : memref<6400xi32, #tpu.memory_space<vmem>> -> memref<80xi32, #tpu.memory_space<vmem>>
        %dma_start3A_414 = arith.constant 0 : i32
        %dma_start3A_415 = arith.constant 0 : i32
        %dma_start3A_416 = tpu.memref_slice %arg3[%dma_start3A_414, %dma_start3A_415] : memref<100000x128xf32, #tpu.memory_space<hbm>> -> memref<100000x128xf32, #tpu.memory_space<hbm>>
        tpu.enqueue_indirect_dma source(%dma_start3A_416 : memref<100000x128xf32, #tpu.memory_space<hbm>>) target(%arg7 : memref<80x128xf32, #tpu.memory_space<vmem>>) offsets(%dma_start3A_413 : memref<80xi32, #tpu.memory_space<vmem>>) semaphore(%arg17 : memref<!tpu.dma_semaphore, #tpu.memory_space<semaphore_mem>>)
      } else {
      }
      %add3A_186 = arith.constant 3 : i32
      %add3A_187 = arith.addi %mul3A_95, %add3A_186 : i32
      %dma_wait3A_188 = arith.constant 0 : i32
      %dma_wait3A_189 = arith.constant 0 : i32
      %dma_wait3A_190 = tpu.memref_slice %arg3[%dma_wait3A_188, %dma_wait3A_189] : memref<100000x128xf32, #tpu.memory_space<hbm>> -> memref<80x128xf32, #tpu.memory_space<hbm>>
      %dma_wait3A_191 = arith.constant 0 : i32
      %dma_wait3A_192 = arith.constant 0 : i32
      %dma_wait3A_193 = tpu.memref_slice %arg3[%dma_wait3A_191, %dma_wait3A_192] : memref<100000x128xf32, #tpu.memory_space<hbm>> -> memref<80x128xf32, #tpu.memory_space<hbm>>
      tpu.wait_dma2 semaphore(%arg19 : memref<!tpu.dma_semaphore, #tpu.memory_space<semaphore_mem>>) src(%dma_wait3A_193 : memref<80x128xf32, #tpu.memory_space<hbm>>) dst(%arg9 : memref<80x128xf32, #tpu.memory_space<vmem>>)
      %mul3A_194 = arith.constant 80 : i32
      %mul3A_195 = arith.muli %add3A_187, %mul3A_194 : i32
      %add3A_196 = arith.addi %mul3A_2, %mul3A_195 : i32
      %dma_start3A_197 = arith.constant 0 : i32
      %dma_start3A_198 = tpu.memref_slice %arg4[%add3A_196, %dma_start3A_197] : memref<204800x128xf32, #tpu.memory_space<hbm>> -> memref<80x128xf32, #tpu.memory_space<hbm>>
      %dma_start3A_199 = arith.constant 0 : i32
      %dma_start3A_200 = tpu.memref_slice %arg4[%add3A_196, %dma_start3A_199] : memref<204800x128xf32, #tpu.memory_space<hbm>> -> memref<80x128xf32, #tpu.memory_space<hbm>>
      tpu.enqueue_dma source(%arg9 : memref<80x128xf32, #tpu.memory_space<vmem>>) target(%dma_start3A_200 : memref<80x128xf32, #tpu.memory_space<hbm>>) target_semaphore(%arg29 : memref<!tpu.dma_semaphore, #tpu.memory_space<semaphore_mem>>)
      %add3A_201 = arith.constant 10 : i32
      %add3A_202 = arith.addi %add3A_187, %add3A_201 : i32
      %sub3A_203 = arith.constant 1 : i32
      %sub3A_204 = arith.subi %add3A_202, %sub3A_203 : i32
      %lt3A_205 = arith.constant 80 : i32
      %lt3A_206 = arith.cmpi slt, %sub3A_204, %lt3A_205 : i32
      %ge3A_207 = arith.constant 1 : i32
      %ge3A_208 = arith.cmpi sge, %add3A_187, %ge3A_207 : i32
      %and3A_209 = arith.andi %lt3A_206, %ge3A_208 : i1
      %convert_element_type3A_210 = arith.extui %and3A_209 : i1 to i32
      %cond3A_211 = arith.constant 0 : i32
      %cond3A_212 = arith.cmpi ne, %convert_element_type3A_210, %cond3A_211 : i32
      scf.if %cond3A_212 {
        %dma_wait3A_411 = arith.constant 0 : i32
        %dma_wait3A_412 = tpu.memref_slice %arg4[%mul3A_2, %dma_wait3A_411] : memref<204800x128xf32, #tpu.memory_space<hbm>> -> memref<80x128xf32, #tpu.memory_space<hbm>>
        %dma_wait3A_413 = arith.constant 0 : i32
        %dma_wait3A_414 = tpu.memref_slice %arg4[%mul3A_2, %dma_wait3A_413] : memref<204800x128xf32, #tpu.memory_space<hbm>> -> memref<80x128xf32, #tpu.memory_space<hbm>>
        tpu.wait_dma2 semaphore(%arg28 : memref<!tpu.dma_semaphore, #tpu.memory_space<semaphore_mem>>) src(%arg8 : memref<80x128xf32, #tpu.memory_space<vmem>>) dst(%dma_wait3A_414 : memref<80x128xf32, #tpu.memory_space<hbm>>)
      } else {
      }
      %lt3A_213 = arith.constant 80 : i32
      %lt3A_214 = arith.cmpi slt, %sub3A_204, %lt3A_213 : i32
      %convert_element_type3A_215 = arith.extui %lt3A_214 : i1 to i32
      %cond3A_216 = arith.constant 0 : i32
      %cond3A_217 = arith.cmpi ne, %convert_element_type3A_215, %cond3A_216 : i32
      scf.if %cond3A_217 {
        %mul3A_411 = arith.constant 80 : i32
        %mul3A_412 = arith.muli %sub3A_204, %mul3A_411 : i32
        %dma_start3A_413 = tpu.memref_slice %arg5[%mul3A_412] : memref<6400xi32, #tpu.memory_space<vmem>> -> memref<80xi32, #tpu.memory_space<vmem>>
        %dma_start3A_414 = arith.constant 0 : i32
        %dma_start3A_415 = arith.constant 0 : i32
        %dma_start3A_416 = tpu.memref_slice %arg3[%dma_start3A_414, %dma_start3A_415] : memref<100000x128xf32, #tpu.memory_space<hbm>> -> memref<100000x128xf32, #tpu.memory_space<hbm>>
        tpu.enqueue_indirect_dma source(%dma_start3A_416 : memref<100000x128xf32, #tpu.memory_space<hbm>>) target(%arg8 : memref<80x128xf32, #tpu.memory_space<vmem>>) offsets(%dma_start3A_413 : memref<80xi32, #tpu.memory_space<vmem>>) semaphore(%arg18 : memref<!tpu.dma_semaphore, #tpu.memory_space<semaphore_mem>>)
      } else {
      }
      %add3A_218 = arith.constant 4 : i32
      %add3A_219 = arith.addi %mul3A_95, %add3A_218 : i32
      %dma_wait3A_220 = arith.constant 0 : i32
      %dma_wait3A_221 = arith.constant 0 : i32
      %dma_wait3A_222 = tpu.memref_slice %arg3[%dma_wait3A_220, %dma_wait3A_221] : memref<100000x128xf32, #tpu.memory_space<hbm>> -> memref<80x128xf32, #tpu.memory_space<hbm>>
      %dma_wait3A_223 = arith.constant 0 : i32
      %dma_wait3A_224 = arith.constant 0 : i32
      %dma_wait3A_225 = tpu.memref_slice %arg3[%dma_wait3A_223, %dma_wait3A_224] : memref<100000x128xf32, #tpu.memory_space<hbm>> -> memref<80x128xf32, #tpu.memory_space<hbm>>
      tpu.wait_dma2 semaphore(%arg20 : memref<!tpu.dma_semaphore, #tpu.memory_space<semaphore_mem>>) src(%dma_wait3A_225 : memref<80x128xf32, #tpu.memory_space<hbm>>) dst(%arg10 : memref<80x128xf32, #tpu.memory_space<vmem>>)
      %mul3A_226 = arith.constant 80 : i32
      %mul3A_227 = arith.muli %add3A_219, %mul3A_226 : i32
      %add3A_228 = arith.addi %mul3A_2, %mul3A_227 : i32
      %dma_start3A_229 = arith.constant 0 : i32
      %dma_start3A_230 = tpu.memref_slice %arg4[%add3A_228, %dma_start3A_229] : memref<204800x128xf32, #tpu.memory_space<hbm>> -> memref<80x128xf32, #tpu.memory_space<hbm>>
      %dma_start3A_231 = arith.constant 0 : i32
      %dma_start3A_232 = tpu.memref_slice %arg4[%add3A_228, %dma_start3A_231] : memref<204800x128xf32, #tpu.memory_space<hbm>> -> memref<80x128xf32, #tpu.memory_space<hbm>>
      tpu.enqueue_dma source(%arg10 : memref<80x128xf32, #tpu.memory_space<vmem>>) target(%dma_start3A_232 : memref<80x128xf32, #tpu.memory_space<hbm>>) target_semaphore(%arg30 : memref<!tpu.dma_semaphore, #tpu.memory_space<semaphore_mem>>)
      %add3A_233 = arith.constant 10 : i32
      %add3A_234 = arith.addi %add3A_219, %add3A_233 : i32
      %sub3A_235 = arith.constant 1 : i32
      %sub3A_236 = arith.subi %add3A_234, %sub3A_235 : i32
      %lt3A_237 = arith.constant 80 : i32
      %lt3A_238 = arith.cmpi slt, %sub3A_236, %lt3A_237 : i32
      %ge3A_239 = arith.constant 1 : i32
      %ge3A_240 = arith.cmpi sge, %add3A_219, %ge3A_239 : i32
      %and3A_241 = arith.andi %lt3A_238, %ge3A_240 : i1
      %convert_element_type3A_242 = arith.extui %and3A_241 : i1 to i32
      %cond3A_243 = arith.constant 0 : i32
      %cond3A_244 = arith.cmpi ne, %convert_element_type3A_242, %cond3A_243 : i32
      scf.if %cond3A_244 {
        %dma_wait3A_411 = arith.constant 0 : i32
        %dma_wait3A_412 = tpu.memref_slice %arg4[%mul3A_2, %dma_wait3A_411] : memref<204800x128xf32, #tpu.memory_space<hbm>> -> memref<80x128xf32, #tpu.memory_space<hbm>>
        %dma_wait3A_413 = arith.constant 0 : i32
        %dma_wait3A_414 = tpu.memref_slice %arg4[%mul3A_2, %dma_wait3A_413] : memref<204800x128xf32, #tpu.memory_space<hbm>> -> memref<80x128xf32, #tpu.memory_space<hbm>>
        tpu.wait_dma2 semaphore(%arg29 : memref<!tpu.dma_semaphore, #tpu.memory_space<semaphore_mem>>) src(%arg9 : memref<80x128xf32, #tpu.memory_space<vmem>>) dst(%dma_wait3A_414 : memref<80x128xf32, #tpu.memory_space<hbm>>)
      } else {
      }
      %lt3A_245 = arith.constant 80 : i32
      %lt3A_246 = arith.cmpi slt, %sub3A_236, %lt3A_245 : i32
      %convert_element_type3A_247 = arith.extui %lt3A_246 : i1 to i32
      %cond3A_248 = arith.constant 0 : i32
      %cond3A_249 = arith.cmpi ne, %convert_element_type3A_247, %cond3A_248 : i32
      scf.if %cond3A_249 {
        %mul3A_411 = arith.constant 80 : i32
        %mul3A_412 = arith.muli %sub3A_236, %mul3A_411 : i32
        %dma_start3A_413 = tpu.memref_slice %arg5[%mul3A_412] : memref<6400xi32, #tpu.memory_space<vmem>> -> memref<80xi32, #tpu.memory_space<vmem>>
        %dma_start3A_414 = arith.constant 0 : i32
        %dma_start3A_415 = arith.constant 0 : i32
        %dma_start3A_416 = tpu.memref_slice %arg3[%dma_start3A_414, %dma_start3A_415] : memref<100000x128xf32, #tpu.memory_space<hbm>> -> memref<100000x128xf32, #tpu.memory_space<hbm>>
        tpu.enqueue_indirect_dma source(%dma_start3A_416 : memref<100000x128xf32, #tpu.memory_space<hbm>>) target(%arg9 : memref<80x128xf32, #tpu.memory_space<vmem>>) offsets(%dma_start3A_413 : memref<80xi32, #tpu.memory_space<vmem>>) semaphore(%arg19 : memref<!tpu.dma_semaphore, #tpu.memory_space<semaphore_mem>>)
      } else {
      }
      %add3A_250 = arith.constant 5 : i32
      %add3A_251 = arith.addi %mul3A_95, %add3A_250 : i32
      %dma_wait3A_252 = arith.constant 0 : i32
      %dma_wait3A_253 = arith.constant 0 : i32
      %dma_wait3A_254 = tpu.memref_slice %arg3[%dma_wait3A_252, %dma_wait3A_253] : memref<100000x128xf32, #tpu.memory_space<hbm>> -> memref<80x128xf32, #tpu.memory_space<hbm>>
      %dma_wait3A_255 = arith.constant 0 : i32
      %dma_wait3A_256 = arith.constant 0 : i32
      %dma_wait3A_257 = tpu.memref_slice %arg3[%dma_wait3A_255, %dma_wait3A_256] : memref<100000x128xf32, #tpu.memory_space<hbm>> -> memref<80x128xf32, #tpu.memory_space<hbm>>
      tpu.wait_dma2 semaphore(%arg21 : memref<!tpu.dma_semaphore, #tpu.memory_space<semaphore_mem>>) src(%dma_wait3A_257 : memref<80x128xf32, #tpu.memory_space<hbm>>) dst(%arg11 : memref<80x128xf32, #tpu.memory_space<vmem>>)
      %mul3A_258 = arith.constant 80 : i32
      %mul3A_259 = arith.muli %add3A_251, %mul3A_258 : i32
      %add3A_260 = arith.addi %mul3A_2, %mul3A_259 : i32
      %dma_start3A_261 = arith.constant 0 : i32
      %dma_start3A_262 = tpu.memref_slice %arg4[%add3A_260, %dma_start3A_261] : memref<204800x128xf32, #tpu.memory_space<hbm>> -> memref<80x128xf32, #tpu.memory_space<hbm>>
      %dma_start3A_263 = arith.constant 0 : i32
      %dma_start3A_264 = tpu.memref_slice %arg4[%add3A_260, %dma_start3A_263] : memref<204800x128xf32, #tpu.memory_space<hbm>> -> memref<80x128xf32, #tpu.memory_space<hbm>>
      tpu.enqueue_dma source(%arg11 : memref<80x128xf32, #tpu.memory_space<vmem>>) target(%dma_start3A_264 : memref<80x128xf32, #tpu.memory_space<hbm>>) target_semaphore(%arg31 : memref<!tpu.dma_semaphore, #tpu.memory_space<semaphore_mem>>)
      %add3A_265 = arith.constant 10 : i32
      %add3A_266 = arith.addi %add3A_251, %add3A_265 : i32
      %sub3A_267 = arith.constant 1 : i32
      %sub3A_268 = arith.subi %add3A_266, %sub3A_267 : i32
      %lt3A_269 = arith.constant 80 : i32
      %lt3A_270 = arith.cmpi slt, %sub3A_268, %lt3A_269 : i32
      %ge3A_271 = arith.constant 1 : i32
      %ge3A_272 = arith.cmpi sge, %add3A_251, %ge3A_271 : i32
      %and3A_273 = arith.andi %lt3A_270, %ge3A_272 : i1
      %convert_element_type3A_274 = arith.extui %and3A_273 : i1 to i32
      %cond3A_275 = arith.constant 0 : i32
      %cond3A_276 = arith.cmpi ne, %convert_element_type3A_274, %cond3A_275 : i32
      scf.if %cond3A_276 {
        %dma_wait3A_411 = arith.constant 0 : i32
        %dma_wait3A_412 = tpu.memref_slice %arg4[%mul3A_2, %dma_wait3A_411] : memref<204800x128xf32, #tpu.memory_space<hbm>> -> memref<80x128xf32, #tpu.memory_space<hbm>>
        %dma_wait3A_413 = arith.constant 0 : i32
        %dma_wait3A_414 = tpu.memref_slice %arg4[%mul3A_2, %dma_wait3A_413] : memref<204800x128xf32, #tpu.memory_space<hbm>> -> memref<80x128xf32, #tpu.memory_space<hbm>>
        tpu.wait_dma2 semaphore(%arg30 : memref<!tpu.dma_semaphore, #tpu.memory_space<semaphore_mem>>) src(%arg10 : memref<80x128xf32, #tpu.memory_space<vmem>>) dst(%dma_wait3A_414 : memref<80x128xf32, #tpu.memory_space<hbm>>)
      } else {
      }
      %lt3A_277 = arith.constant 80 : i32
      %lt3A_278 = arith.cmpi slt, %sub3A_268, %lt3A_277 : i32
      %convert_element_type3A_279 = arith.extui %lt3A_278 : i1 to i32
      %cond3A_280 = arith.constant 0 : i32
      %cond3A_281 = arith.cmpi ne, %convert_element_type3A_279, %cond3A_280 : i32
      scf.if %cond3A_281 {
        %mul3A_411 = arith.constant 80 : i32
        %mul3A_412 = arith.muli %sub3A_268, %mul3A_411 : i32
        %dma_start3A_413 = tpu.memref_slice %arg5[%mul3A_412] : memref<6400xi32, #tpu.memory_space<vmem>> -> memref<80xi32, #tpu.memory_space<vmem>>
        %dma_start3A_414 = arith.constant 0 : i32
        %dma_start3A_415 = arith.constant 0 : i32
        %dma_start3A_416 = tpu.memref_slice %arg3[%dma_start3A_414, %dma_start3A_415] : memref<100000x128xf32, #tpu.memory_space<hbm>> -> memref<100000x128xf32, #tpu.memory_space<hbm>>
        tpu.enqueue_indirect_dma source(%dma_start3A_416 : memref<100000x128xf32, #tpu.memory_space<hbm>>) target(%arg10 : memref<80x128xf32, #tpu.memory_space<vmem>>) offsets(%dma_start3A_413 : memref<80xi32, #tpu.memory_space<vmem>>) semaphore(%arg20 : memref<!tpu.dma_semaphore, #tpu.memory_space<semaphore_mem>>)
      } else {
      }
      %add3A_282 = arith.constant 6 : i32
      %add3A_283 = arith.addi %mul3A_95, %add3A_282 : i32
      %dma_wait3A_284 = arith.constant 0 : i32
      %dma_wait3A_285 = arith.constant 0 : i32
      %dma_wait3A_286 = tpu.memref_slice %arg3[%dma_wait3A_284, %dma_wait3A_285] : memref<100000x128xf32, #tpu.memory_space<hbm>> -> memref<80x128xf32, #tpu.memory_space<hbm>>
      %dma_wait3A_287 = arith.constant 0 : i32
      %dma_wait3A_288 = arith.constant 0 : i32
      %dma_wait3A_289 = tpu.memref_slice %arg3[%dma_wait3A_287, %dma_wait3A_288] : memref<100000x128xf32, #tpu.memory_space<hbm>> -> memref<80x128xf32, #tpu.memory_space<hbm>>
      tpu.wait_dma2 semaphore(%arg22 : memref<!tpu.dma_semaphore, #tpu.memory_space<semaphore_mem>>) src(%dma_wait3A_289 : memref<80x128xf32, #tpu.memory_space<hbm>>) dst(%arg12 : memref<80x128xf32, #tpu.memory_space<vmem>>)
      %mul3A_290 = arith.constant 80 : i32
      %mul3A_291 = arith.muli %add3A_283, %mul3A_290 : i32
      %add3A_292 = arith.addi %mul3A_2, %mul3A_291 : i32
      %dma_start3A_293 = arith.constant 0 : i32
      %dma_start3A_294 = tpu.memref_slice %arg4[%add3A_292, %dma_start3A_293] : memref<204800x128xf32, #tpu.memory_space<hbm>> -> memref<80x128xf32, #tpu.memory_space<hbm>>
      %dma_start3A_295 = arith.constant 0 : i32
      %dma_start3A_296 = tpu.memref_slice %arg4[%add3A_292, %dma_start3A_295] : memref<204800x128xf32, #tpu.memory_space<hbm>> -> memref<80x128xf32, #tpu.memory_space<hbm>>
      tpu.enqueue_dma source(%arg12 : memref<80x128xf32, #tpu.memory_space<vmem>>) target(%dma_start3A_296 : memref<80x128xf32, #tpu.memory_space<hbm>>) target_semaphore(%arg32 : memref<!tpu.dma_semaphore, #tpu.memory_space<semaphore_mem>>)
      %add3A_297 = arith.constant 10 : i32
      %add3A_298 = arith.addi %add3A_283, %add3A_297 : i32
      %sub3A_299 = arith.constant 1 : i32
      %sub3A_300 = arith.subi %add3A_298, %sub3A_299 : i32
      %lt3A_301 = arith.constant 80 : i32
      %lt3A_302 = arith.cmpi slt, %sub3A_300, %lt3A_301 : i32
      %ge3A_303 = arith.constant 1 : i32
      %ge3A_304 = arith.cmpi sge, %add3A_283, %ge3A_303 : i32
      %and3A_305 = arith.andi %lt3A_302, %ge3A_304 : i1
      %convert_element_type3A_306 = arith.extui %and3A_305 : i1 to i32
      %cond3A_307 = arith.constant 0 : i32
      %cond3A_308 = arith.cmpi ne, %convert_element_type3A_306, %cond3A_307 : i32
      scf.if %cond3A_308 {
        %dma_wait3A_411 = arith.constant 0 : i32
        %dma_wait3A_412 = tpu.memref_slice %arg4[%mul3A_2, %dma_wait3A_411] : memref<204800x128xf32, #tpu.memory_space<hbm>> -> memref<80x128xf32, #tpu.memory_space<hbm>>
        %dma_wait3A_413 = arith.constant 0 : i32
        %dma_wait3A_414 = tpu.memref_slice %arg4[%mul3A_2, %dma_wait3A_413] : memref<204800x128xf32, #tpu.memory_space<hbm>> -> memref<80x128xf32, #tpu.memory_space<hbm>>
        tpu.wait_dma2 semaphore(%arg31 : memref<!tpu.dma_semaphore, #tpu.memory_space<semaphore_mem>>) src(%arg11 : memref<80x128xf32, #tpu.memory_space<vmem>>) dst(%dma_wait3A_414 : memref<80x128xf32, #tpu.memory_space<hbm>>)
      } else {
      }
      %lt3A_309 = arith.constant 80 : i32
      %lt3A_310 = arith.cmpi slt, %sub3A_300, %lt3A_309 : i32
      %convert_element_type3A_311 = arith.extui %lt3A_310 : i1 to i32
      %cond3A_312 = arith.constant 0 : i32
      %cond3A_313 = arith.cmpi ne, %convert_element_type3A_311, %cond3A_312 : i32
      scf.if %cond3A_313 {
        %mul3A_411 = arith.constant 80 : i32
        %mul3A_412 = arith.muli %sub3A_300, %mul3A_411 : i32
        %dma_start3A_413 = tpu.memref_slice %arg5[%mul3A_412] : memref<6400xi32, #tpu.memory_space<vmem>> -> memref<80xi32, #tpu.memory_space<vmem>>
        %dma_start3A_414 = arith.constant 0 : i32
        %dma_start3A_415 = arith.constant 0 : i32
        %dma_start3A_416 = tpu.memref_slice %arg3[%dma_start3A_414, %dma_start3A_415] : memref<100000x128xf32, #tpu.memory_space<hbm>> -> memref<100000x128xf32, #tpu.memory_space<hbm>>
        tpu.enqueue_indirect_dma source(%dma_start3A_416 : memref<100000x128xf32, #tpu.memory_space<hbm>>) target(%arg11 : memref<80x128xf32, #tpu.memory_space<vmem>>) offsets(%dma_start3A_413 : memref<80xi32, #tpu.memory_space<vmem>>) semaphore(%arg21 : memref<!tpu.dma_semaphore, #tpu.memory_space<semaphore_mem>>)
      } else {
      }
      %add3A_314 = arith.constant 7 : i32
      %add3A_315 = arith.addi %mul3A_95, %add3A_314 : i32
      %dma_wait3A_316 = arith.constant 0 : i32
      %dma_wait3A_317 = arith.constant 0 : i32
      %dma_wait3A_318 = tpu.memref_slice %arg3[%dma_wait3A_316, %dma_wait3A_317] : memref<100000x128xf32, #tpu.memory_space<hbm>> -> memref<80x128xf32, #tpu.memory_space<hbm>>
      %dma_wait3A_319 = arith.constant 0 : i32
      %dma_wait3A_320 = arith.constant 0 : i32
      %dma_wait3A_321 = tpu.memref_slice %arg3[%dma_wait3A_319, %dma_wait3A_320] : memref<100000x128xf32, #tpu.memory_space<hbm>> -> memref<80x128xf32, #tpu.memory_space<hbm>>
      tpu.wait_dma2 semaphore(%arg23 : memref<!tpu.dma_semaphore, #tpu.memory_space<semaphore_mem>>) src(%dma_wait3A_321 : memref<80x128xf32, #tpu.memory_space<hbm>>) dst(%arg13 : memref<80x128xf32, #tpu.memory_space<vmem>>)
      %mul3A_322 = arith.constant 80 : i32
      %mul3A_323 = arith.muli %add3A_315, %mul3A_322 : i32
      %add3A_324 = arith.addi %mul3A_2, %mul3A_323 : i32
      %dma_start3A_325 = arith.constant 0 : i32
      %dma_start3A_326 = tpu.memref_slice %arg4[%add3A_324, %dma_start3A_325] : memref<204800x128xf32, #tpu.memory_space<hbm>> -> memref<80x128xf32, #tpu.memory_space<hbm>>
      %dma_start3A_327 = arith.constant 0 : i32
      %dma_start3A_328 = tpu.memref_slice %arg4[%add3A_324, %dma_start3A_327] : memref<204800x128xf32, #tpu.memory_space<hbm>> -> memref<80x128xf32, #tpu.memory_space<hbm>>
      tpu.enqueue_dma source(%arg13 : memref<80x128xf32, #tpu.memory_space<vmem>>) target(%dma_start3A_328 : memref<80x128xf32, #tpu.memory_space<hbm>>) target_semaphore(%arg33 : memref<!tpu.dma_semaphore, #tpu.memory_space<semaphore_mem>>)
      %add3A_329 = arith.constant 10 : i32
      %add3A_330 = arith.addi %add3A_315, %add3A_329 : i32
      %sub3A_331 = arith.constant 1 : i32
      %sub3A_332 = arith.subi %add3A_330, %sub3A_331 : i32
      %lt3A_333 = arith.constant 80 : i32
      %lt3A_334 = arith.cmpi slt, %sub3A_332, %lt3A_333 : i32
      %ge3A_335 = arith.constant 1 : i32
      %ge3A_336 = arith.cmpi sge, %add3A_315, %ge3A_335 : i32
      %and3A_337 = arith.andi %lt3A_334, %ge3A_336 : i1
      %convert_element_type3A_338 = arith.extui %and3A_337 : i1 to i32
      %cond3A_339 = arith.constant 0 : i32
      %cond3A_340 = arith.cmpi ne, %convert_element_type3A_338, %cond3A_339 : i32
      scf.if %cond3A_340 {
        %dma_wait3A_411 = arith.constant 0 : i32
        %dma_wait3A_412 = tpu.memref_slice %arg4[%mul3A_2, %dma_wait3A_411] : memref<204800x128xf32, #tpu.memory_space<hbm>> -> memref<80x128xf32, #tpu.memory_space<hbm>>
        %dma_wait3A_413 = arith.constant 0 : i32
        %dma_wait3A_414 = tpu.memref_slice %arg4[%mul3A_2, %dma_wait3A_413] : memref<204800x128xf32, #tpu.memory_space<hbm>> -> memref<80x128xf32, #tpu.memory_space<hbm>>
        tpu.wait_dma2 semaphore(%arg32 : memref<!tpu.dma_semaphore, #tpu.memory_space<semaphore_mem>>) src(%arg12 : memref<80x128xf32, #tpu.memory_space<vmem>>) dst(%dma_wait3A_414 : memref<80x128xf32, #tpu.memory_space<hbm>>)
      } else {
      }
      %lt3A_341 = arith.constant 80 : i32
      %lt3A_342 = arith.cmpi slt, %sub3A_332, %lt3A_341 : i32
      %convert_element_type3A_343 = arith.extui %lt3A_342 : i1 to i32
      %cond3A_344 = arith.constant 0 : i32
      %cond3A_345 = arith.cmpi ne, %convert_element_type3A_343, %cond3A_344 : i32
      scf.if %cond3A_345 {
        %mul3A_411 = arith.constant 80 : i32
        %mul3A_412 = arith.muli %sub3A_332, %mul3A_411 : i32
        %dma_start3A_413 = tpu.memref_slice %arg5[%mul3A_412] : memref<6400xi32, #tpu.memory_space<vmem>> -> memref<80xi32, #tpu.memory_space<vmem>>
        %dma_start3A_414 = arith.constant 0 : i32
        %dma_start3A_415 = arith.constant 0 : i32
        %dma_start3A_416 = tpu.memref_slice %arg3[%dma_start3A_414, %dma_start3A_415] : memref<100000x128xf32, #tpu.memory_space<hbm>> -> memref<100000x128xf32, #tpu.memory_space<hbm>>
        tpu.enqueue_indirect_dma source(%dma_start3A_416 : memref<100000x128xf32, #tpu.memory_space<hbm>>) target(%arg12 : memref<80x128xf32, #tpu.memory_space<vmem>>) offsets(%dma_start3A_413 : memref<80xi32, #tpu.memory_space<vmem>>) semaphore(%arg22 : memref<!tpu.dma_semaphore, #tpu.memory_space<semaphore_mem>>)
      } else {
      }
      %add3A_346 = arith.constant 8 : i32
      %add3A_347 = arith.addi %mul3A_95, %add3A_346 : i32
      %dma_wait3A_348 = arith.constant 0 : i32
      %dma_wait3A_349 = arith.constant 0 : i32
      %dma_wait3A_350 = tpu.memref_slice %arg3[%dma_wait3A_348, %dma_wait3A_349] : memref<100000x128xf32, #tpu.memory_space<hbm>> -> memref<80x128xf32, #tpu.memory_space<hbm>>
      %dma_wait3A_351 = arith.constant 0 : i32
      %dma_wait3A_352 = arith.constant 0 : i32
      %dma_wait3A_353 = tpu.memref_slice %arg3[%dma_wait3A_351, %dma_wait3A_352] : memref<100000x128xf32, #tpu.memory_space<hbm>> -> memref<80x128xf32, #tpu.memory_space<hbm>>
      tpu.wait_dma2 semaphore(%arg24 : memref<!tpu.dma_semaphore, #tpu.memory_space<semaphore_mem>>) src(%dma_wait3A_353 : memref<80x128xf32, #tpu.memory_space<hbm>>) dst(%arg14 : memref<80x128xf32, #tpu.memory_space<vmem>>)
      %mul3A_354 = arith.constant 80 : i32
      %mul3A_355 = arith.muli %add3A_347, %mul3A_354 : i32
      %add3A_356 = arith.addi %mul3A_2, %mul3A_355 : i32
      %dma_start3A_357 = arith.constant 0 : i32
      %dma_start3A_358 = tpu.memref_slice %arg4[%add3A_356, %dma_start3A_357] : memref<204800x128xf32, #tpu.memory_space<hbm>> -> memref<80x128xf32, #tpu.memory_space<hbm>>
      %dma_start3A_359 = arith.constant 0 : i32
      %dma_start3A_360 = tpu.memref_slice %arg4[%add3A_356, %dma_start3A_359] : memref<204800x128xf32, #tpu.memory_space<hbm>> -> memref<80x128xf32, #tpu.memory_space<hbm>>
      tpu.enqueue_dma source(%arg14 : memref<80x128xf32, #tpu.memory_space<vmem>>) target(%dma_start3A_360 : memref<80x128xf32, #tpu.memory_space<hbm>>) target_semaphore(%arg34 : memref<!tpu.dma_semaphore, #tpu.memory_space<semaphore_mem>>)
      %add3A_361 = arith.constant 10 : i32
      %add3A_362 = arith.addi %add3A_347, %add3A_361 : i32
      %sub3A_363 = arith.constant 1 : i32
      %sub3A_364 = arith.subi %add3A_362, %sub3A_363 : i32
      %lt3A_365 = arith.constant 80 : i32
      %lt3A_366 = arith.cmpi slt, %sub3A_364, %lt3A_365 : i32
      %ge3A_367 = arith.constant 1 : i32
      %ge3A_368 = arith.cmpi sge, %add3A_347, %ge3A_367 : i32
      %and3A_369 = arith.andi %lt3A_366, %ge3A_368 : i1
      %convert_element_type3A_370 = arith.extui %and3A_369 : i1 to i32
      %cond3A_371 = arith.constant 0 : i32
      %cond3A_372 = arith.cmpi ne, %convert_element_type3A_370, %cond3A_371 : i32
      scf.if %cond3A_372 {
        %dma_wait3A_411 = arith.constant 0 : i32
        %dma_wait3A_412 = tpu.memref_slice %arg4[%mul3A_2, %dma_wait3A_411] : memref<204800x128xf32, #tpu.memory_space<hbm>> -> memref<80x128xf32, #tpu.memory_space<hbm>>
        %dma_wait3A_413 = arith.constant 0 : i32
        %dma_wait3A_414 = tpu.memref_slice %arg4[%mul3A_2, %dma_wait3A_413] : memref<204800x128xf32, #tpu.memory_space<hbm>> -> memref<80x128xf32, #tpu.memory_space<hbm>>
        tpu.wait_dma2 semaphore(%arg33 : memref<!tpu.dma_semaphore, #tpu.memory_space<semaphore_mem>>) src(%arg13 : memref<80x128xf32, #tpu.memory_space<vmem>>) dst(%dma_wait3A_414 : memref<80x128xf32, #tpu.memory_space<hbm>>)
      } else {
      }
      %lt3A_373 = arith.constant 80 : i32
      %lt3A_374 = arith.cmpi slt, %sub3A_364, %lt3A_373 : i32
      %convert_element_type3A_375 = arith.extui %lt3A_374 : i1 to i32
      %cond3A_376 = arith.constant 0 : i32
      %cond3A_377 = arith.cmpi ne, %convert_element_type3A_375, %cond3A_376 : i32
      scf.if %cond3A_377 {
        %mul3A_411 = arith.constant 80 : i32
        %mul3A_412 = arith.muli %sub3A_364, %mul3A_411 : i32
        %dma_start3A_413 = tpu.memref_slice %arg5[%mul3A_412] : memref<6400xi32, #tpu.memory_space<vmem>> -> memref<80xi32, #tpu.memory_space<vmem>>
        %dma_start3A_414 = arith.constant 0 : i32
        %dma_start3A_415 = arith.constant 0 : i32
        %dma_start3A_416 = tpu.memref_slice %arg3[%dma_start3A_414, %dma_start3A_415] : memref<100000x128xf32, #tpu.memory_space<hbm>> -> memref<100000x128xf32, #tpu.memory_space<hbm>>
        tpu.enqueue_indirect_dma source(%dma_start3A_416 : memref<100000x128xf32, #tpu.memory_space<hbm>>) target(%arg13 : memref<80x128xf32, #tpu.memory_space<vmem>>) offsets(%dma_start3A_413 : memref<80xi32, #tpu.memory_space<vmem>>) semaphore(%arg23 : memref<!tpu.dma_semaphore, #tpu.memory_space<semaphore_mem>>)
      } else {
      }
      %add3A_378 = arith.constant 9 : i32
      %add3A_379 = arith.addi %mul3A_95, %add3A_378 : i32
      %dma_wait3A_380 = arith.constant 0 : i32
      %dma_wait3A_381 = arith.constant 0 : i32
      %dma_wait3A_382 = tpu.memref_slice %arg3[%dma_wait3A_380, %dma_wait3A_381] : memref<100000x128xf32, #tpu.memory_space<hbm>> -> memref<80x128xf32, #tpu.memory_space<hbm>>
      %dma_wait3A_383 = arith.constant 0 : i32
      %dma_wait3A_384 = arith.constant 0 : i32
      %dma_wait3A_385 = tpu.memref_slice %arg3[%dma_wait3A_383, %dma_wait3A_384] : memref<100000x128xf32, #tpu.memory_space<hbm>> -> memref<80x128xf32, #tpu.memory_space<hbm>>
      tpu.wait_dma2 semaphore(%arg25 : memref<!tpu.dma_semaphore, #tpu.memory_space<semaphore_mem>>) src(%dma_wait3A_385 : memref<80x128xf32, #tpu.memory_space<hbm>>) dst(%arg15 : memref<80x128xf32, #tpu.memory_space<vmem>>)
      %mul3A_386 = arith.constant 80 : i32
      %mul3A_387 = arith.muli %add3A_379, %mul3A_386 : i32
      %add3A_388 = arith.addi %mul3A_2, %mul3A_387 : i32
      %dma_start3A_389 = arith.constant 0 : i32
      %dma_start3A_390 = tpu.memref_slice %arg4[%add3A_388, %dma_start3A_389] : memref<204800x128xf32, #tpu.memory_space<hbm>> -> memref<80x128xf32, #tpu.memory_space<hbm>>
      %dma_start3A_391 = arith.constant 0 : i32
      %dma_start3A_392 = tpu.memref_slice %arg4[%add3A_388, %dma_start3A_391] : memref<204800x128xf32, #tpu.memory_space<hbm>> -> memref<80x128xf32, #tpu.memory_space<hbm>>
      tpu.enqueue_dma source(%arg15 : memref<80x128xf32, #tpu.memory_space<vmem>>) target(%dma_start3A_392 : memref<80x128xf32, #tpu.memory_space<hbm>>) target_semaphore(%arg35 : memref<!tpu.dma_semaphore, #tpu.memory_space<semaphore_mem>>)
      %add3A_393 = arith.constant 10 : i32
      %add3A_394 = arith.addi %add3A_379, %add3A_393 : i32
      %sub3A_395 = arith.constant 1 : i32
      %sub3A_396 = arith.subi %add3A_394, %sub3A_395 : i32
      %lt3A_397 = arith.constant 80 : i32
      %lt3A_398 = arith.cmpi slt, %sub3A_396, %lt3A_397 : i32
      %ge3A_399 = arith.constant 1 : i32
      %ge3A_400 = arith.cmpi sge, %add3A_379, %ge3A_399 : i32
      %and3A_401 = arith.andi %lt3A_398, %ge3A_400 : i1
      %convert_element_type3A_402 = arith.extui %and3A_401 : i1 to i32
      %cond3A_403 = arith.constant 0 : i32
      %cond3A_404 = arith.cmpi ne, %convert_element_type3A_402, %cond3A_403 : i32
      scf.if %cond3A_404 {
        %dma_wait3A_411 = arith.constant 0 : i32
        %dma_wait3A_412 = tpu.memref_slice %arg4[%mul3A_2, %dma_wait3A_411] : memref<204800x128xf32, #tpu.memory_space<hbm>> -> memref<80x128xf32, #tpu.memory_space<hbm>>
        %dma_wait3A_413 = arith.constant 0 : i32
        %dma_wait3A_414 = tpu.memref_slice %arg4[%mul3A_2, %dma_wait3A_413] : memref<204800x128xf32, #tpu.memory_space<hbm>> -> memref<80x128xf32, #tpu.memory_space<hbm>>
        tpu.wait_dma2 semaphore(%arg34 : memref<!tpu.dma_semaphore, #tpu.memory_space<semaphore_mem>>) src(%arg14 : memref<80x128xf32, #tpu.memory_space<vmem>>) dst(%dma_wait3A_414 : memref<80x128xf32, #tpu.memory_space<hbm>>)
      } else {
      }
      %lt3A_405 = arith.constant 80 : i32
      %lt3A_406 = arith.cmpi slt, %sub3A_396, %lt3A_405 : i32
      %convert_element_type3A_407 = arith.extui %lt3A_406 : i1 to i32
      %cond3A_408 = arith.constant 0 : i32
      %cond3A_409 = arith.cmpi ne, %convert_element_type3A_407, %cond3A_408 : i32
      scf.if %cond3A_409 {
        %mul3A_411 = arith.constant 80 : i32
        %mul3A_412 = arith.muli %sub3A_396, %mul3A_411 : i32
        %dma_start3A_413 = tpu.memref_slice %arg5[%mul3A_412] : memref<6400xi32, #tpu.memory_space<vmem>> -> memref<80xi32, #tpu.memory_space<vmem>>
        %dma_start3A_414 = arith.constant 0 : i32
        %dma_start3A_415 = arith.constant 0 : i32
        %dma_start3A_416 = tpu.memref_slice %arg3[%dma_start3A_414, %dma_start3A_415] : memref<100000x128xf32, #tpu.memory_space<hbm>> -> memref<100000x128xf32, #tpu.memory_space<hbm>>
        tpu.enqueue_indirect_dma source(%dma_start3A_416 : memref<100000x128xf32, #tpu.memory_space<hbm>>) target(%arg14 : memref<80x128xf32, #tpu.memory_space<vmem>>) offsets(%dma_start3A_413 : memref<80xi32, #tpu.memory_space<vmem>>) semaphore(%arg24 : memref<!tpu.dma_semaphore, #tpu.memory_space<semaphore_mem>>)
      } else {
      }
      %scan3A_410 = arith.constant 0 : i32
      scf.yield %scan3A_410 : i32
    }
    %scan3A_52 = arith.constant 8 : i32
    %dma_wait3A = arith.constant 0 : i32
    %dma_wait3A_53 = tpu.memref_slice %arg4[%mul3A_2, %dma_wait3A] : memref<204800x128xf32, #tpu.memory_space<hbm>> -> memref<80x128xf32, #tpu.memory_space<hbm>>
    %dma_wait3A_54 = arith.constant 0 : i32
    %dma_wait3A_55 = tpu.memref_slice %arg4[%mul3A_2, %dma_wait3A_54] : memref<204800x128xf32, #tpu.memory_space<hbm>> -> memref<80x128xf32, #tpu.memory_space<hbm>>
    tpu.wait_dma2 semaphore(%arg26 : memref<!tpu.dma_semaphore, #tpu.memory_space<semaphore_mem>>) src(%arg6 : memref<80x128xf32, #tpu.memory_space<vmem>>) dst(%dma_wait3A_55 : memref<80x128xf32, #tpu.memory_space<hbm>>)
    %dma_wait3A_56 = arith.constant 0 : i32
    %dma_wait3A_57 = tpu.memref_slice %arg4[%mul3A_2, %dma_wait3A_56] : memref<204800x128xf32, #tpu.memory_space<hbm>> -> memref<80x128xf32, #tpu.memory_space<hbm>>
    %dma_wait3A_58 = arith.constant 0 : i32
    %dma_wait3A_59 = tpu.memref_slice %arg4[%mul3A_2, %dma_wait3A_58] : memref<204800x128xf32, #tpu.memory_space<hbm>> -> memref<80x128xf32, #tpu.memory_space<hbm>>
    tpu.wait_dma2 semaphore(%arg27 : memref<!tpu.dma_semaphore, #tpu.memory_space<semaphore_mem>>) src(%arg7 : memref<80x128xf32, #tpu.memory_space<vmem>>) dst(%dma_wait3A_59 : memref<80x128xf32, #tpu.memory_space<hbm>>)
    %dma_wait3A_60 = arith.constant 0 : i32
    %dma_wait3A_61 = tpu.memref_slice %arg4[%mul3A_2, %dma_wait3A_60] : memref<204800x128xf32, #tpu.memory_space<hbm>> -> memref<80x128xf32, #tpu.memory_space<hbm>>
    %dma_wait3A_62 = arith.constant 0 : i32
    %dma_wait3A_63 = tpu.memref_slice %arg4[%mul3A_2, %dma_wait3A_62] : memref<204800x128xf32, #tpu.memory_space<hbm>> -> memref<80x128xf32, #tpu.memory_space<hbm>>
    tpu.wait_dma2 semaphore(%arg28 : memref<!tpu.dma_semaphore, #tpu.memory_space<semaphore_mem>>) src(%arg8 : memref<80x128xf32, #tpu.memory_space<vmem>>) dst(%dma_wait3A_63 : memref<80x128xf32, #tpu.memory_space<hbm>>)
    %dma_wait3A_64 = arith.constant 0 : i32
    %dma_wait3A_65 = tpu.memref_slice %arg4[%mul3A_2, %dma_wait3A_64] : memref<204800x128xf32, #tpu.memory_space<hbm>> -> memref<80x128xf32, #tpu.memory_space<hbm>>
    %dma_wait3A_66 = arith.constant 0 : i32
    %dma_wait3A_67 = tpu.memref_slice %arg4[%mul3A_2, %dma_wait3A_66] : memref<204800x128xf32, #tpu.memory_space<hbm>> -> memref<80x128xf32, #tpu.memory_space<hbm>>
    tpu.wait_dma2 semaphore(%arg29 : memref<!tpu.dma_semaphore, #tpu.memory_space<semaphore_mem>>) src(%arg9 : memref<80x128xf32, #tpu.memory_space<vmem>>) dst(%dma_wait3A_67 : memref<80x128xf32, #tpu.memory_space<hbm>>)
    %dma_wait3A_68 = arith.constant 0 : i32
    %dma_wait3A_69 = tpu.memref_slice %arg4[%mul3A_2, %dma_wait3A_68] : memref<204800x128xf32, #tpu.memory_space<hbm>> -> memref<80x128xf32, #tpu.memory_space<hbm>>
    %dma_wait3A_70 = arith.constant 0 : i32
    %dma_wait3A_71 = tpu.memref_slice %arg4[%mul3A_2, %dma_wait3A_70] : memref<204800x128xf32, #tpu.memory_space<hbm>> -> memref<80x128xf32, #tpu.memory_space<hbm>>
    tpu.wait_dma2 semaphore(%arg30 : memref<!tpu.dma_semaphore, #tpu.memory_space<semaphore_mem>>) src(%arg10 : memref<80x128xf32, #tpu.memory_space<vmem>>) dst(%dma_wait3A_71 : memref<80x128xf32, #tpu.memory_space<hbm>>)
    %dma_wait3A_72 = arith.constant 0 : i32
    %dma_wait3A_73 = tpu.memref_slice %arg4[%mul3A_2, %dma_wait3A_72] : memref<204800x128xf32, #tpu.memory_space<hbm>> -> memref<80x128xf32, #tpu.memory_space<hbm>>
    %dma_wait3A_74 = arith.constant 0 : i32
    %dma_wait3A_75 = tpu.memref_slice %arg4[%mul3A_2, %dma_wait3A_74] : memref<204800x128xf32, #tpu.memory_space<hbm>> -> memref<80x128xf32, #tpu.memory_space<hbm>>
    tpu.wait_dma2 semaphore(%arg31 : memref<!tpu.dma_semaphore, #tpu.memory_space<semaphore_mem>>) src(%arg11 : memref<80x128xf32, #tpu.memory_space<vmem>>) dst(%dma_wait3A_75 : memref<80x128xf32, #tpu.memory_space<hbm>>)
    %dma_wait3A_76 = arith.constant 0 : i32
    %dma_wait3A_77 = tpu.memref_slice %arg4[%mul3A_2, %dma_wait3A_76] : memref<204800x128xf32, #tpu.memory_space<hbm>> -> memref<80x128xf32, #tpu.memory_space<hbm>>
    %dma_wait3A_78 = arith.constant 0 : i32
    %dma_wait3A_79 = tpu.memref_slice %arg4[%mul3A_2, %dma_wait3A_78] : memref<204800x128xf32, #tpu.memory_space<hbm>> -> memref<80x128xf32, #tpu.memory_space<hbm>>
    tpu.wait_dma2 semaphore(%arg32 : memref<!tpu.dma_semaphore, #tpu.memory_space<semaphore_mem>>) src(%arg12 : memref<80x128xf32, #tpu.memory_space<vmem>>) dst(%dma_wait3A_79 : memref<80x128xf32, #tpu.memory_space<hbm>>)
    %dma_wait3A_80 = arith.constant 0 : i32
    %dma_wait3A_81 = tpu.memref_slice %arg4[%mul3A_2, %dma_wait3A_80] : memref<204800x128xf32, #tpu.memory_space<hbm>> -> memref<80x128xf32, #tpu.memory_space<hbm>>
    %dma_wait3A_82 = arith.constant 0 : i32
    %dma_wait3A_83 = tpu.memref_slice %arg4[%mul3A_2, %dma_wait3A_82] : memref<204800x128xf32, #tpu.memory_space<hbm>> -> memref<80x128xf32, #tpu.memory_space<hbm>>
    tpu.wait_dma2 semaphore(%arg33 : memref<!tpu.dma_semaphore, #tpu.memory_space<semaphore_mem>>) src(%arg13 : memref<80x128xf32, #tpu.memory_space<vmem>>) dst(%dma_wait3A_83 : memref<80x128xf32, #tpu.memory_space<hbm>>)
    %dma_wait3A_84 = arith.constant 0 : i32
    %dma_wait3A_85 = tpu.memref_slice %arg4[%mul3A_2, %dma_wait3A_84] : memref<204800x128xf32, #tpu.memory_space<hbm>> -> memref<80x128xf32, #tpu.memory_space<hbm>>
    %dma_wait3A_86 = arith.constant 0 : i32
    %dma_wait3A_87 = tpu.memref_slice %arg4[%mul3A_2, %dma_wait3A_86] : memref<204800x128xf32, #tpu.memory_space<hbm>> -> memref<80x128xf32, #tpu.memory_space<hbm>>
    tpu.wait_dma2 semaphore(%arg34 : memref<!tpu.dma_semaphore, #tpu.memory_space<semaphore_mem>>) src(%arg14 : memref<80x128xf32, #tpu.memory_space<vmem>>) dst(%dma_wait3A_87 : memref<80x128xf32, #tpu.memory_space<hbm>>)
    %dma_wait3A_88 = arith.constant 0 : i32
    %dma_wait3A_89 = tpu.memref_slice %arg4[%mul3A_2, %dma_wait3A_88] : memref<204800x128xf32, #tpu.memory_space<hbm>> -> memref<80x128xf32, #tpu.memory_space<hbm>>
    %dma_wait3A_90 = arith.constant 0 : i32
    %dma_wait3A_91 = tpu.memref_slice %arg4[%mul3A_2, %dma_wait3A_90] : memref<204800x128xf32, #tpu.memory_space<hbm>> -> memref<80x128xf32, #tpu.memory_space<hbm>>
    tpu.wait_dma2 semaphore(%arg35 : memref<!tpu.dma_semaphore, #tpu.memory_space<semaphore_mem>>) src(%arg15 : memref<80x128xf32, #tpu.memory_space<vmem>>) dst(%dma_wait3A_91 : memref<80x128xf32, #tpu.memory_space<hbm>>)
    return
  }
}

</mosaic_0001>

<sc_bundles>
// kernel: kernel.3.cloned.1.call-start
scs
__scs_entry_jumppad:
0x0: {  	(pc) =	sbr.rel $0x88, $3  }
0x1: {  	(tag) =	ssettag $0x0;
	lr =	simm.s32 $0x1  }
0x2: {  	[smem:$0x3F9E] =	sst lr;
	_ =	strace $0xD0000000  }
0x3: {  	_ = 	snop  }
0x4: {  	_ = 	snop  }
0x5: {  	_ = 	snop  }
0x6: {  	_ = 	snop  }
0x7: {  	_ = 	snop  }
__scs_overlays_trampoline_lowered:
0x8: {  	[smem:$0x3FAD] =	sst s0  }
0x9: {  	[smem:$0x3FAE] =	sst s1  }
0xa: {  	[smem:$0x3FAF] =	sst s2  }
0xb: {  	[smem:$0x3FB0] =	sst s3  }
0xc: {  	[smem:$0x3FB1] =	sst s4  }
0xd: {  	[smem:$0x3FB2] =	sst s5  }
0xe: {  	[smem:$0x3FB3] =	sst s6  }
0xf: {  	[smem:$0x3FB4] =	sst s7  }
0x10: {  	[smem:$0x3FB5] =	sst s8  }
0x11: {  	[smem:$0x3FB6] =	sst s9;
	s0 =	simm.s32 @!p0 $0x0  }
0x12: {  	s1 =	sld [smem:$0x3F9C];
	s0 =	simm.s32 @p0 $0x1  }
0x13: {  	[smem:$0x3FB7] =	sst s0;
	s0 =	simm.s32 @!p1 $0x0  }
0x14: {  	s2 =	sld [smem:$0x3F9B];
	s0 =	simm.s32 @p1 $0x1  }
0x15: {  	[smem:$0x3FB8] =	sst s0;
	s0 =	simm.s32 @!p2 $0x0  }
0x16: {  	s3 =	sld [smem:$0x3FDB];
	s0 =	simm.s32 @p2 $0x1  }
0x17: {  	s4 =	simm.s32 $0x1BF5;
	[smem:$0x3FBA] =	sst s0  }
0x18: {  	s0 =	sld [smem:$0x3F9D];
	_ =	swait.ge [sflag:s4], $0x0  }
0x19: {  	s7 =	sld [smem:$0x3F9E]  }
0x1a: {  	s8 =	sadd.s32 $0xFFFFE003, lr  }
0x1b: {  	s9 =	sadd.s32 $0xFFFFFEF7, lr;
	s5 =	simm.s32 $0xFFFFFFFF;
	p2 =	slt.u32 s8, $0xFFFFF086  }
0x1c: {  	p1 =	slt.u32 s9, $0xF7A;
	s5 =	simm.s32 @!p2 $0x0  }
0x1d: {  	s5 =	simm.s32 @p1 $0x1;
	p0 =	seq.s32 s7, s2  }
0x1e: {  	s7 =	smul.u32 @!p0 $0xF7A, s2;
	p2 =	seq.s32 @!p0 s5, $0x0  }
0x1f: {  	s9 =	smul.u32 $0xF7A, s1;
	s8 =	simm.s32 @!p0 $0x1BF5;
	p2 =	por !p2, p0  }
0x20: {  	[sflag:s8] =	ssyncset.s32 @!p0 $0xFFFFF086;
	s6 =	sadd.s32 @!p0 s3, s7;
	s7 =	simm.s32 @!p0 $0x108  }
0x21: {  	s3 =	sadd.s32 s3, s9;
	s6 =	sadd.s32 @!p0 $0x88, s6;
	s7 =	simm.s32 @p2 $0x1082  }
0x22: {  	[simem:s7], [sflag:s8] =	dma.local @!p0 [hbm:s6], $0xF7A  }
0x23: {  	s9 =	sor.u32 $0xD0000000, s2;
	s6 =	simm.s32 $0x108;
	_ =	swait.ge @!p0 [sflag:s8], $0x0  }
0x24: {  	s3 =	sadd.s32 $0x88, s3;
	s6 =	simm.s32 @!p1 $0x1082;
	[sflag:s4] =	ssyncset.s32 $0xFFFFF086  }
0x25: {  	[simem:s6], [sflag:s4] =	dma.local [hbm:s3], $0xF7A  }
0x26: {  	[smem:$0x3F9E] =	sst s1;
	(tag) =	ssettag s2;
	_ =	strace s9  }
0x27: {  	s1 =	sld [smem:$0x3FAE]  }
0x28: {  	s2 =	sld [smem:$0x3FAF]  }
0x29: {  	s4 =	sld [smem:$0x3FB1]  }
0x2a: {  	p0 =	seq.s32 s5, $0x0;
	s5 =	sld [smem:$0x3FB2]  }
0x2b: {  	s6 =	sld [smem:$0x3FB3]  }
0x2c: {  	s7 =	sld [smem:$0x3FB4]  }
0x2d: {  	s3 =	simm.s32 $0x108;
	s8 =	sld [smem:$0x3FB5]  }
0x2e: {  	s3 =	simm.s32 @!p0 $0x1082;
	s9 =	sld [smem:$0x3FB6]  }
0x2f: {  	lr =	sadd.s32 s0, s3;
	s0 =	sld [smem:$0x3FAD]  }
0x30: {  	s3 =	sld [smem:$0x3FB0]  }
0x31: {  	[smem:$0x3FB9] =	sst s10  }
0x32: {  	s10 =	sld [smem:$0x3FB7];
	_ =	sdelay $0x3  }
0x33: {  	p0 =	seq.s32 s10, $0x1;
	s10 =	sld [smem:$0x3FB9];
	_ =	sdelay $0x3  }
0x34: {  	[smem:$0x3FB9] =	sst s10  }
0x35: {  	s10 =	sld [smem:$0x3FB8];
	_ =	sdelay $0x3  }
0x36: {  	p1 =	seq.s32 s10, $0x1;
	s10 =	sld [smem:$0x3FB9];
	_ =	sdelay $0x3  }
0x37: {  	[smem:$0x3FB9] =	sst s10  }
0x38: {  	s10 =	sld [smem:$0x3FBA]  }
0x39: {  	_ = 	snop;
	(pc) =	sbr.ind lr, $3  }
0x3a: {  	_ = 	snop  }
0x3b: {  	_ = 	snop  }
0x3c: {  	p2 =	seq.s32 s10, $0x1;
	s10 =	sld [smem:$0x3FB9]  }
0x3d: {  	_ =	shalt  }
0x3e: {  	_ =	shalt  }
0x3f: {  	_ =	shalt  }
0x40: {  	_ =	shalt  }
0x41: {  	_ =	shalt  }
0x42: {  	_ =	shalt  }
0x43: {  	_ =	shalt  }
0x44: {  	_ =	shalt  }
0x45: {  	_ =	shalt  }
0x46: {  	_ =	shalt  }
0x47: {  	_ =	shalt  }
0x48: {  	_ =	shalt  }
0x49: {  	_ =	shalt  }
0x4a: {  	_ =	shalt  }
0x4b: {  	_ =	shalt  }
0x4c: {  	_ =	shalt  }
0x4d: {  	_ =	shalt  }
0x4e: {  	_ =	shalt  }
0x4f: {  	_ =	shalt  }
0x50: {  	_ =	shalt  }
0x51: {  	_ =	shalt  }
0x52: {  	_ =	shalt  }
0x53: {  	_ =	shalt  }
0x54: {  	_ =	shalt  }
0x55: {  	_ =	shalt  }
0x56: {  	_ =	shalt  }
0x57: {  	_ =	shalt  }
0x58: {  	_ =	shalt  }
0x59: {  	_ =	shalt  }
0x5a: {  	_ =	shalt  }
0x5b: {  	_ =	shalt  }
0x5c: {  	_ =	shalt  }
0x5d: {  	_ =	shalt  }
0x5e: {  	_ =	shalt  }
0x5f: {  	_ =	shalt  }
0x60: {  	_ =	shalt  }
0x61: {  	_ =	shalt  }
0x62: {  	_ =	shalt  }
0x63: {  	_ =	shalt  }
0x64: {  	_ =	shalt  }
0x65: {  	_ =	shalt  }
0x66: {  	_ =	shalt  }
0x67: {  	_ =	shalt  }
0x68: {  	_ =	shalt  }
0x69: {  	_ =	shalt  }
0x6a: {  	_ =	shalt  }
0x6b: {  	_ =	shalt  }
0x6c: {  	_ =	shalt  }
0x6d: {  	_ =	shalt  }
0x6e: {  	_ =	shalt  }
0x6f: {  	_ =	shalt  }
0x70: {  	_ =	shalt  }
0x71: {  	_ =	shalt  }
0x72: {  	_ =	shalt  }
0x73: {  	_ =	shalt  }
0x74: {  	_ =	shalt  }
0x75: {  	_ =	shalt  }
0x76: {  	_ =	shalt  }
0x77: {  	_ =	shalt  }
0x78: {  	_ =	shalt  }
0x79: {  	_ =	shalt  }
0x7a: {  	_ =	shalt  }
0x7b: {  	_ =	shalt  }
0x7c: {  	_ =	shalt  }
0x7d: {  	_ =	shalt  }
0x7e: {  	_ =	shalt  }
0x7f: {  	_ =	shalt  }
0x80: {  	_ =	shalt  }
0x81: {  	_ =	shalt  }
0x82: {  	_ =	shalt  }
0x83: {  	_ =	shalt  }
0x84: {  	_ =	shalt  }
0x85: {  	_ =	shalt  }
0x86: {  	_ =	shalt  }
0x87: {  	_ =	shalt  }
.Lfunc_end0:
.L_simem_size_0:
called_computation_lowered:
.L_overlay_start_0:
0x88: {  	s2 =	sld [smem:$0x3FD9]  }
0x89: {  	s3 =	sld [smem:$0x3FFE];
	_ =	sdelay $0x1  }
0x8a: {  	s1 =	srdreg.scid  }
0x8b: {  	s0 =	sand.u32 $0x1, s1  }
0x8c: {  	s14 =	sshll.u32 s0, $0xA;
	s2 =	sadd.s32 s3, s2  }
0x8d: {  	s2 =	sadd.s32 s2, s14  }
0x8e: {  	[smem:$0x3FC5] =	sst s2  }
0x8f: {  	_ = 	snop  }
0x90: {  	s2 =	sld [smem:$0x3FD0];
	_ =	sdelay $0x2  }
0x91: {  	s4 =	simm.s32 $0xA;
	s5 =	simm.s32 $0x10;
	s15 =	sld [smem:$0x3FC7]  }
0x92: {  	[smem:s5], [sflag:s4] =	dma.local [hbm:s2], $0x1  }
0x93: {  	_ =	swait.eq [sflag:s4], $0x1  }
0x94: {  	[sflag:s4] =	ssyncset.done $0x0  }
0x95: {  	[sflag:s4] =	ssyncadd.s32 $0xFFFFFFFF  }
0x96: {  	s16 =	sld [smem:$0x10];
	(tm) =	ssettm $0x1  }
0x97: {  	s17 =	sld [smem:$0x3FFB];
	_ =	sdelay $0x3  }
0x98: {  	_ =	strace s17  }
0x99: {  	s4 =	sld [smem:$0x3FFC];
	_ =	sdelay $0x3  }
0x9a: {  	_ =	strace s4  }
0x9b: {  	s4 =	sld [smem:$0x3FFD];
	_ =	sdelay $0x3  }
0x9c: {  	_ =	strace s4  }
0x9d: {  	_ =	strace $0x8FFFFFFF  }
0x9e: {  	s18 =	sld [smem:$0x3FDB];
	_ =	sdelay $0x1  }
0x9f: {  	s19 =	simm.s32 $_scs_section_size  }
0xa0: {  	s6 =	simm.s32 $_size__tile_overlayer_lowered;
	s7 =	simm.s32 $_tile_overlayer_lowered  }
0xa1: {  	s22 =	simm.s32 $0x1BFF;
	s21 =	sshll.u32 s7, $0x1;
	s4 =	sadd.s32 s19, s18  }
0xa2: {  	s8 =	simm.s32 $0x0;
	s20 =	sshll.u32 s6, $0x1;
	s6 =	sadd.s32 s21, s4  }
0xa3: {  	[timem:s8], [sflag:s22] =	dma.local [hbm:s6], s20  }
0xa4: {  	_ =	swait.ge [sflag:s22], s20  }
0xa5: {  	s5 =	ssub.s32 $0x0, s20;
	[sflag:s22] =	ssyncset.done $0x0  }
0xa6: {  	[sflag:s22] =	ssyncadd.s32 s5;
	_ =	sdelay $0x1  }
0xa7: {  	s23 =	simm.s32 $0x1B8B  }
0xa8: {  	_ =	swait.ge [sflag:s23], $0x1  }
0xa9: {  	[sflag:s23] =	ssyncset.done $0x0  }
0xaa: {  	s25 =	simm.s32 $0x1B8E;
	s24 =	sld [smem:$0x3FFE];
	[sflag:s23] =	ssyncadd.s32 $0xFFFFFFFF  }
0xab: {  	s26 =	simm.s32 $execute0_lowered;
	[smem:$0x3FD2] =	sst s25  }
0xac: {  	s6 =	sshll.u32 s26, $0x1;
	_ =	strace $0x80000046;
	[dreg:$0x1] =	wrdreg $0xFFFFFFFF  }
0xad: {  	s28 =	simm.s32 $_size_execute0_lowered;
	s4 =	sadd.s32 s4, s6;
	[dreg:$0x0] =	wrdreg $0x0  }
0xae: {  	s6 =	sshll.u32 s28, $0x1;
	[dreg:$0x2] =	wrdreg s4  }
0xaf: {  	[dreg:$0x3] =	wrdreg s6  }
0xb0: {  	[dreg:$0x4] =	wrdreg $0xC0  }
0xb1: {  	_ =	task [dreg:s8], $0x5FFFF  }
0xb2: {  	[dreg:$0x1] =	wrdreg $0xFFFFFFFF  }
0xb3: {  	[dreg:$0x0] =	wrdreg $0x60  }
0xb4: {  	[dreg:$0x2] =	wrdreg s24  }
0xb5: {  	[dreg:$0x3] =	wrdreg s15  }
0xb6: {  	[dreg:$0x4] =	wrdreg s16  }
0xb7: {  	[dreg:$0x5] =	wrdreg $0x9  }
0xb8: {  	_ =	task.clear_ibuf [dreg:s8], $0x6FFFF;
	_ =	strace $0x90000046  }
0xb9: {  	s29 =	simm.s32 $0x9;
	_ =	strace $0x80000048  }
0xba: {  	_ =	swait.ge [sflag:s29], $0x1  }
0xbb: {  	[sflag:s29] =	ssyncadd.s32 $0xFFFFFFFF  }
0xbc: {  	_ =	strace $0x90000048  }
0xbd: {  	_ =	sfence  }
0xbe: {  	s30 =	sld [smem:$0x0];
	_ =	sdelay $0x2  }
0xbf: {  	s31 =	sshll.u32 s1, $0xD;
	s1 =	sshrl.u32 s1, $0x2  }
0xc0: {  	s3 =	sand.u32 $0x4000, s31;
	s1 =	sadd.s32 s1, s30  }
0xc1: {  	s0 =	sor.u32 s3, s0;
	s1 =	sshll.u32 s1, $0x11  }
0xc2: {  	s0 =	sor.u32 s1, s0  }
0xc3: {  	s0 =	sadd.s32 $0x8F2B, s0  }
0xc4: {  	[sflag:s0] =	ssyncadd.remote.s32 $0x1  }
0xc5: {  	_ =	sfence.sel $0xFFFF  }
0xc6: {  	[dreg:$0x0] =	wrdreg $0xFFFFFFFF;
	(pc) =	sbr.abs _section_cstart, $3  }
0xc7: {  	[dreg:$0x1] =	wrdreg $0xFFFFFFFF  }
0xc8: {  	_ =	task.clear_ibuf [dreg:s8], $0x2FFFF;
	_ =	strace $0x9FFFFFFF  }
0xc9: {  	(tm) =	ssettm $0x7FFFFFFF  }
tec
execute0_lowered:
.L_overlay_start_1:
0x0: {  	(tag) =	ssettag $0x1  }
0x1: {  	s0 =	rddreg [dreg:$0x0]  }
0x2: {  	s2 =	rddreg [dreg:$0x1];
	s1 =	srdreg.scid  }
0x3: {  	s8 =	stileid.u32;
	s4 =	rddreg [dreg:$0x2]  }
0x4: {  	s3 =	simm.s32 $0x0;
	s12 =	simm.s32 $0x50;
	s13 =	simm.s32 $0x1900  }
0x5: {  	s14 =	simm.s32 $0x4100;
	s18 =	simm.s32 $0x9100;
	s22 =	simm.s32 $0xE100  }
0x6: {  	s29 =	simm.s32 $0x15900;
	s30 =	simm.s32 $0x1;
	s31 =	simm.s32 $0x18100  }
0x7: {  	s15 =	simm.s32 $0x6;
	s1 =	sand.u32 $0x1, s1;
	s5 =	sshll.u32 s8, $0x1  }
0x8: {  	s16 =	simm.s32 $0x8;
	s8 =	smul.u32 $0x32000, s8;
	s5 =	sor.u32 s1, s5  }
0x9: {  	s17 =	simm.s32 $0xA;
	[smem:$0x7FF] =	sst s3;
	s6 =	smul.u32 $0x1900, s5  }
0xa: {  	s11 =	simm.s32 $0x0;
	_ =	strace $0x80000047;
	s5 =	smul.u32 $0x19000, s5  }
0xb: {  	s7 =	ssub.s32 $0x2, s1;
	s25 =	smul.u32 $0x19000, s1;
	s1 =	simm.s32 $0x2  }
0xc: {  	s24 =	sshrl.u32 s7, $0x1;
	s6 =	sshrl.u32 s6, $0x3;
	s28 =	sadd.s32 s4, s5  }
0xd: {  	s4 =	sadd.s32 s8, s4;
	s5 =	simm.s32 $0x13;
	s0 =	sadd.s32 s6, s0  }
.Ltmp0:
0xe: {  	s6 =	ssub.s32 s7, s24;
	s7 =	sadd.s32 $0x17200, s28;
	(pc) =	sbr.rel .LBB2_1-.Ltmp0, $4  }
0xf: {  	s8 =	sadd.s32 $0x17C00, s28;
	s9 =	sadd.s32 $0x18600, s28;
	s0 =	sadd.s32 $0x600, s0  }
0x10: {  	s26 =	smax.u32 s6, $0x1;
	[dreg:$0x4] =	wrdreg s0;
	s0 =	sadd.s32 s25, s4  }
0x11: {  	s6 =	sadd.s32 $0x16800, s28;
	[dreg:$0x5] =	wrdreg s26;
	s0 =	sadd.s32 $0x1900, s0  }
0x12: {  	s26 =	simm.s32 $0x13100;
	[dreg:$0x6] =	wrdreg s0;
	s0 =	simm.s32 $0x4  }
.LBB2_4:
0x13: {  	s4 =	simm.s32 $0xB  }
0x14: {  	_ =	swait.ge [sflag:s4], $0x2800  }
0x15: {  	[sflag:s4] =	ssyncset.done $0x0  }
0x16: {  	s11 =	simm.s32 $0xC;
	[sflag:s4] =	ssyncadd.s32 $0xFFFFD800  }
0x17: {  	_ =	swait.ge [sflag:s11], $0x2800  }
0x18: {  	[sflag:s11] =	ssyncset.done $0x0  }
0x19: {  	s19 =	simm.s32 $0xD;
	[sflag:s11] =	ssyncadd.s32 $0xFFFFD800  }
0x1a: {  	_ =	swait.ge [sflag:s19], $0x2800  }
0x1b: {  	[sflag:s19] =	ssyncset.done $0x0  }
0x1c: {  	s20 =	simm.s32 $0xE;
	[sflag:s19] =	ssyncadd.s32 $0xFFFFD800  }
0x1d: {  	_ =	swait.ge [sflag:s20], $0x2800  }
0x1e: {  	[sflag:s20] =	ssyncset.done $0x0  }
0x1f: {  	s21 =	simm.s32 $0xF;
	[sflag:s20] =	ssyncadd.s32 $0xFFFFD800  }
0x20: {  	_ =	swait.ge [sflag:s21], $0x2800  }
0x21: {  	[sflag:s21] =	ssyncset.done $0x0  }
0x22: {  	s23 =	simm.s32 $0x10;
	[sflag:s21] =	ssyncadd.s32 $0xFFFFD800  }
0x23: {  	_ =	swait.ge [sflag:s23], $0x2800  }
0x24: {  	[sflag:s23] =	ssyncset.done $0x0  }
0x25: {  	s24 =	simm.s32 $0x11;
	[sflag:s23] =	ssyncadd.s32 $0xFFFFD800  }
0x26: {  	_ =	swait.ge [sflag:s24], $0x2800  }
0x27: {  	[sflag:s24] =	ssyncset.done $0x0  }
0x28: {  	s25 =	simm.s32 $0x12;
	[sflag:s24] =	ssyncadd.s32 $0xFFFFD800  }
0x29: {  	_ =	swait.ge [sflag:s25], $0x2800  }
0x2a: {  	[sflag:s25] =	ssyncset.done $0x0  }
0x2b: {  	[sflag:s25] =	ssyncadd.s32 $0xFFFFD800  }
0x2c: {  	_ =	swait.ge [sflag:s5], $0x2800  }
0x2d: {  	[sflag:s5] =	ssyncset.done $0x0  }
0x2e: {  	s10 =	simm.s32 $0x14;
	[sflag:s5] =	ssyncadd.s32 $0xFFFFD800  }
0x2f: {  	_ =	swait.ge [sflag:s10], $0x2800  }
0x30: {  	s11 =	rddreg [dreg:$0x7]  }
0x31: {  	s28 =	rddreg [dreg:$0x5];
	s11 =	sadd.s32 $0x1, s11  }
0x32: {  	p0 =	sne.s32 s11, s28  }
.Ltmp1:
0x33: {  	_ = 	snop;
	(pc) =	sbr.rel @!p0 .LBB2_5-.Ltmp1, $3  }
0x34: {  	_ =	sdelay $0x1  }
0x35: {  	[sflag:s10] =	ssyncset.done $0x0  }
0x36: {  	[sflag:s10] =	ssyncadd.s32 $0xFFFFD800  }
.LBB2_1:
0x37: {  	[dreg:$0x7] =	wrdreg s11  }
0x38: {  	s4 =	rddreg [dreg:$0x4];
	s25 =	simm.s32 $0x15  }
0x39: {  	[tilespmem:s3], [sflag:$0x15] =	stream.linear.gather [hbm4b:s4+s3], $0x1900, $0x38;
	[tilespmem:$0x1A900] =	vst v63  }
0x3a: {  	_ =	swait.ge [sflag:s25], $0x1900  }
0x3b: {  	[sflag:s25] =	ssyncset.done $0x0  }
0x3c: {  	[sflag:s25] =	ssyncadd.s32 $0xFFFFE700  }
0x3d: {  	[tilespmem:s13], [sflag:$0x1] =	stream.indirect.gather [hbm4b:s2+s12], $0x80, s3, s12, $0xb8;
	[tilespmem:$0x1A900] =	vst v63  }
0x3e: {  	_ = 	snop  }
0x3f: {  	[tilespmem:s14], [sflag:$0x2] =	stream.indirect.gather [hbm4b:s2+s12], $0x80, s12, s12, $0xb8;
	[tilespmem:$0x1A900] =	vst v63  }
0x40: {  	s28 =	simm.s32 $0xA0;
	s10 =	simm.s32 $0x6900  }
0x41: {  	[tilespmem:s10], [sflag:$0x3] =	stream.indirect.gather [hbm4b:s2+s12], $0x80, s28, s12, $0xb8;
	[tilespmem:$0x1A900] =	vst v63  }
0x42: {  	s11 =	simm.s32 $0xF0  }
0x43: {  	[tilespmem:s18], [sflag:$0x4] =	stream.indirect.gather [hbm4b:s2+s12], $0x80, s11, s12, $0xb8;
	[tilespmem:$0x1A900] =	vst v63  }
0x44: {  	s19 =	simm.s32 $0x140;
	s20 =	simm.s32 $0xB900  }
0x45: {  	[tilespmem:s20], [sflag:$0x5] =	stream.indirect.gather [hbm4b:s2+s12], $0x80, s19, s12, $0xb8;
	[tilespmem:$0x1A900] =	vst v63  }
0x46: {  	s21 =	simm.s32 $0x190  }
0x47: {  	[tilespmem:s22], [sflag:$0x6] =	stream.indirect.gather [hbm4b:s2+s12], $0x80, s21, s12, $0xb8;
	[tilespmem:$0x1A900] =	vst v63  }
0x48: {  	s23 =	simm.s32 $0x1E0;
	s24 =	simm.s32 $0x10900  }
0x49: {  	[tilespmem:s24], [sflag:$0x7] =	stream.indirect.gather [hbm4b:s2+s12], $0x80, s23, s12, $0xb8;
	[tilespmem:$0x1A900] =	vst v63  }
0x4a: {  	s25 =	simm.s32 $0x230  }
0x4b: {  	[tilespmem:s26], [sflag:$0x8] =	stream.indirect.gather [hbm4b:s2+s12], $0x80, s25, s12, $0xb8;
	[tilespmem:$0x1A900] =	vst v63  }
0x4c: {  	s28 =	simm.s32 $0x280;
	s19 =	rddreg [dreg:$0x6];
	s20 =	simm.s32 $0x0  }
0x4d: {  	[tilespmem:s29], [sflag:$0x9] =	stream.indirect.gather [hbm4b:s2+s12], $0x80, s28, s12, $0xb8;
	[tilespmem:$0x1A900] =	vst v63  }
.LBB2_2:
0x4e: {  	_ =	swait.ge [sflag:s30], $0x2800  }
0x4f: {  	p0 =	seq.s32 s20, $0x0;
	[sflag:s30] =	ssyncset.done $0x0  }
0x50: {  	s21 =	sadd.s32 $0xFFFFE700, s19;
	s23 =	simm.s32 @!p0 $0x14;
	[sflag:s30] =	ssyncadd.s32 $0xFFFFD800  }
0x51: {  	[hbm4b:s21+s3] =	stream.linear.scatter [tilespmem:s13], [sflag:$0xB], $0x2800, $0x38;
	[tilespmem:$0x1A900] =	vst v63  }
0x52: {  	_ =	swait.ge @!p0 [sflag:s23], $0x2800  }
0x53: {  	s21 =	sshra.s32 s20, $0x2;
	[sflag:s23] =	ssyncset.done @!p0 $0x0  }
0x54: {  	s4 =	sadd.s32 $0x2D0, s21;
	[sflag:s23] =	ssyncadd.s32 @!p0 $0xFFFFD800  }
0x55: {  	[tilespmem:s31], [sflag:$0xA] =	stream.indirect.gather [hbm4b:s2+s12], $0x80, s4, s12, $0xb8;
	[tilespmem:$0x1A900] =	vst v63  }
0x56: {  	_ =	swait.ge [sflag:s1], $0x2800  }
0x57: {  	p0 =	seq.s32 s20, $0x5780;
	[sflag:s1] =	ssyncset.done $0x0  }
0x58: {  	s10 =	sadd.s32 $0xFFFFEC00, s19;
	s23 =	simm.s32 @p0 $0x3;
	[sflag:s1] =	ssyncadd.s32 $0xFFFFD800  }
0x59: {  	[hbm4b:s10+s3] =	stream.linear.scatter [tilespmem:s14], [sflag:$0xC], $0x2800, $0x38;
	[tilespmem:$0x1A900] =	vst v63  }
0x5a: {  	_ =	swait.ge @p0 [sflag:s23], $0x2800  }
0x5b: {  	[sflag:s23] =	ssyncset.done @p0 $0x0  }
0x5c: {  	s25 =	simm.s32 @p0 $0x0;
	[sflag:s23] =	ssyncadd.s32 @p0 $0xFFFFD800;
	s23 =	simm.s32 @p0 $0x6900  }
0x5d: {  	[hbm4b:s6+s25] =	stream.linear.scatter @p0 [tilespmem:s23], [sflag:$0xD], $0x2800, $0x38;
	[tilespmem:$0x1A900] =	vst v63  }
0x5e: {  	s23 =	simm.s32 @!p0 $0xB  }
0x5f: {  	_ =	swait.ge @!p0 [sflag:s23], $0x2800  }
0x60: {  	[sflag:s23] =	ssyncset.done @!p0 $0x0  }
0x61: {  	[sflag:s23] =	ssyncadd.s32 @!p0 $0xFFFFD800;
	s23 =	sshra.s32 @!p0 s20, $0x2  }
0x62: {  	s24 =	simm.s32 @!p0 $0x50;
	s4 =	simm.s32 @!p0 $0x1900;
	s28 =	sadd.s32 @!p0 $0x320, s23  }
0x63: {  	[tilespmem:s4], [sflag:$0x1] =	stream.indirect.gather @!p0 [hbm4b:s2+s24], $0x80, s28, s24, $0xb8;
	[tilespmem:$0x1A900] =	vst v63  }
0x64: {  	s4 =	simm.s32 @!p0 $0x3  }
0x65: {  	_ =	swait.ge @!p0 [sflag:s4], $0x2800  }
0x66: {  	s10 =	simm.s32 @!p0 $0x6900;
	[sflag:s4] =	ssyncset.done @!p0 $0x0  }
0x67: {  	s28 =	simm.s32 @!p0 $0x0;
	[sflag:s4] =	ssyncadd.s32 @!p0 $0xFFFFD800;
	s4 =	sadd.s32 @!p0 $0xFFFFF100, s19  }
0x68: {  	[hbm4b:s4+s28] =	stream.linear.scatter @!p0 [tilespmem:s10], [sflag:$0xD], $0x2800, $0x38;
	[tilespmem:$0x1A900] =	vst v63  }
0x69: {  	s4 =	simm.s32 @!p0 $0xC  }
0x6a: {  	_ =	swait.ge @!p0 [sflag:s4], $0x2800  }
0x6b: {  	[sflag:s4] =	ssyncset.done @!p0 $0x0  }
0x6c: {  	s11 =	simm.s32 @!p0 $0x4100;
	[sflag:s4] =	ssyncadd.s32 @!p0 $0xFFFFD800;
	s4 =	sadd.s32 @!p0 $0x370, s23  }
0x6d: {  	[tilespmem:s11], [sflag:$0x2] =	stream.indirect.gather @!p0 [hbm4b:s2+s24], $0x80, s4, s24, $0xb8;
	[tilespmem:$0x1A900] =	vst v63  }
0x6e: {  	_ =	swait.ge [sflag:s0], $0x2800  }
0x6f: {  	[sflag:s0] =	ssyncset.done $0x0  }
0x70: {  	s11 =	sadd.s32 $0xFFFFF600, s19;
	s4 =	simm.s32 @p0 $0x5;
	[sflag:s0] =	ssyncadd.s32 $0xFFFFD800  }
0x71: {  	[hbm4b:s11+s3] =	stream.linear.scatter [tilespmem:s18], [sflag:$0xE], $0x2800, $0x38;
	[tilespmem:$0x1A900] =	vst v63  }
0x72: {  	_ =	swait.ge @p0 [sflag:s4], $0x2800  }
0x73: {  	[sflag:s4] =	ssyncset.done @p0 $0x0  }
0x74: {  	[sflag:s4] =	ssyncadd.s32 @p0 $0xFFFFD800;
	s4 =	simm.s32 @p0 $0xB900  }
0x75: {  	[hbm4b:s7+s25] =	stream.linear.scatter @p0 [tilespmem:s4], [sflag:$0xF], $0x2800, $0x38;
	[tilespmem:$0x1A900] =	vst v63  }
0x76: {  	s4 =	simm.s32 @!p0 $0xD  }
0x77: {  	_ =	swait.ge @!p0 [sflag:s4], $0x2800  }
0x78: {  	[sflag:s4] =	ssyncset.done @!p0 $0x0  }
0x79: {  	[sflag:s4] =	ssyncadd.s32 @!p0 $0xFFFFD800;
	s4 =	sadd.s32 @!p0 $0x3C0, s23  }
0x7a: {  	[tilespmem:s10], [sflag:$0x3] =	stream.indirect.gather @!p0 [hbm4b:s2+s24], $0x80, s4, s24, $0xb8;
	[tilespmem:$0x1A900] =	vst v63  }
0x7b: {  	s4 =	simm.s32 @!p0 $0x5  }
0x7c: {  	_ =	swait.ge @!p0 [sflag:s4], $0x2800  }
0x7d: {  	[sflag:s4] =	ssyncset.done @!p0 $0x0  }
0x7e: {  	s10 =	simm.s32 @!p0 $0xB900;
	[sflag:s4] =	ssyncadd.s32 @!p0 $0xFFFFD800;
	s4 =	sadd.s32 @!p0 $0xFFFFFB00, s19  }
0x7f: {  	[hbm4b:s4+s28] =	stream.linear.scatter @!p0 [tilespmem:s10], [sflag:$0xF], $0x2800, $0x38;
	[tilespmem:$0x1A900] =	vst v63  }
0x80: {  	s4 =	simm.s32 @!p0 $0xE  }
0x81: {  	_ =	swait.ge @!p0 [sflag:s4], $0x2800  }
0x82: {  	[sflag:s4] =	ssyncset.done @!p0 $0x0  }
0x83: {  	s11 =	simm.s32 @!p0 $0x9100;
	[sflag:s4] =	ssyncadd.s32 @!p0 $0xFFFFD800;
	s4 =	sadd.s32 @!p0 $0x410, s23  }
0x84: {  	[tilespmem:s11], [sflag:$0x4] =	stream.indirect.gather @!p0 [hbm4b:s2+s24], $0x80, s4, s24, $0xb8;
	[tilespmem:$0x1A900] =	vst v63  }
0x85: {  	_ =	swait.ge [sflag:s15], $0x2800  }
0x86: {  	[sflag:s15] =	ssyncset.done $0x0  }
0x87: {  	s4 =	simm.s32 @p0 $0x7;
	[sflag:s15] =	ssyncadd.s32 $0xFFFFD800  }
0x88: {  	[hbm4b:s19+s3] =	stream.linear.scatter [tilespmem:s22], [sflag:$0x10], $0x2800, $0x38;
	[tilespmem:$0x1A900] =	vst v63  }
0x89: {  	_ =	swait.ge @p0 [sflag:s4], $0x2800  }
0x8a: {  	[sflag:s4] =	ssyncset.done @p0 $0x0  }
0x8b: {  	[sflag:s4] =	ssyncadd.s32 @p0 $0xFFFFD800;
	s4 =	simm.s32 @p0 $0x10900  }
0x8c: {  	[hbm4b:s8+s25] =	stream.linear.scatter @p0 [tilespmem:s4], [sflag:$0x11], $0x2800, $0x38;
	[tilespmem:$0x1A900] =	vst v63  }
0x8d: {  	s4 =	simm.s32 @!p0 $0xF  }
0x8e: {  	_ =	swait.ge @!p0 [sflag:s4], $0x2800  }
0x8f: {  	[sflag:s4] =	ssyncset.done @!p0 $0x0  }
0x90: {  	[sflag:s4] =	ssyncadd.s32 @!p0 $0xFFFFD800;
	s4 =	sadd.s32 @!p0 $0x460, s23  }
0x91: {  	[tilespmem:s10], [sflag:$0x5] =	stream.indirect.gather @!p0 [hbm4b:s2+s24], $0x80, s4, s24, $0xb8;
	[tilespmem:$0x1A900] =	vst v63  }
0x92: {  	s4 =	simm.s32 @!p0 $0x7  }
0x93: {  	_ =	swait.ge @!p0 [sflag:s4], $0x2800  }
0x94: {  	[sflag:s4] =	ssyncset.done @!p0 $0x0  }
0x95: {  	s10 =	simm.s32 @!p0 $0x10900;
	[sflag:s4] =	ssyncadd.s32 @!p0 $0xFFFFD800;
	s4 =	sadd.s32 @!p0 $0x500, s19  }
0x96: {  	[hbm4b:s4+s28] =	stream.linear.scatter @!p0 [tilespmem:s10], [sflag:$0x11], $0x2800, $0x38;
	[tilespmem:$0x1A900] =	vst v63  }
0x97: {  	s4 =	simm.s32 @!p0 $0x10  }
0x98: {  	_ =	swait.ge @!p0 [sflag:s4], $0x2800  }
0x99: {  	[sflag:s4] =	ssyncset.done @!p0 $0x0  }
0x9a: {  	s11 =	simm.s32 @!p0 $0xE100;
	[sflag:s4] =	ssyncadd.s32 @!p0 $0xFFFFD800;
	s4 =	sadd.s32 @!p0 $0x4B0, s23  }
0x9b: {  	[tilespmem:s11], [sflag:$0x6] =	stream.indirect.gather @!p0 [hbm4b:s2+s24], $0x80, s4, s24, $0xb8;
	[tilespmem:$0x1A900] =	vst v63  }
0x9c: {  	_ =	swait.ge [sflag:s16], $0x2800  }
0x9d: {  	[sflag:s16] =	ssyncset.done $0x0  }
0x9e: {  	s11 =	sadd.s32 $0xA00, s19;
	s4 =	simm.s32 @p0 $0x9;
	[sflag:s16] =	ssyncadd.s32 $0xFFFFD800  }
0x9f: {  	[hbm4b:s11+s3] =	stream.linear.scatter [tilespmem:s26], [sflag:$0x12], $0x2800, $0x38;
	[tilespmem:$0x1A900] =	vst v63  }
0xa0: {  	_ =	swait.ge @p0 [sflag:s4], $0x2800  }
0xa1: {  	[sflag:s4] =	ssyncset.done @p0 $0x0  }
0xa2: {  	[sflag:s4] =	ssyncadd.s32 @p0 $0xFFFFD800;
	s4 =	simm.s32 @p0 $0x15900  }
0xa3: {  	[hbm4b:s9+s25] =	stream.linear.scatter @p0 [tilespmem:s4], [sflag:$0x13], $0x2800, $0x38;
	[tilespmem:$0x1A900] =	vst v63  }
0xa4: {  	s4 =	simm.s32 @!p0 $0x11  }
0xa5: {  	_ =	swait.ge @!p0 [sflag:s4], $0x2800  }
0xa6: {  	[sflag:s4] =	ssyncset.done @!p0 $0x0  }
0xa7: {  	[sflag:s4] =	ssyncadd.s32 @!p0 $0xFFFFD800;
	s4 =	sadd.s32 @!p0 $0x500, s23  }
0xa8: {  	[tilespmem:s10], [sflag:$0x7] =	stream.indirect.gather @!p0 [hbm4b:s2+s24], $0x80, s4, s24, $0xb8;
	[tilespmem:$0x1A900] =	vst v63  }
0xa9: {  	s4 =	simm.s32 @!p0 $0x9  }
0xaa: {  	_ =	swait.ge @!p0 [sflag:s4], $0x2800  }
0xab: {  	[sflag:s4] =	ssyncset.done @!p0 $0x0  }
0xac: {  	s10 =	simm.s32 @!p0 $0x15900;
	[sflag:s4] =	ssyncadd.s32 @!p0 $0xFFFFD800;
	s4 =	sadd.s32 @!p0 $0xF00, s19  }
0xad: {  	[hbm4b:s4+s28] =	stream.linear.scatter @!p0 [tilespmem:s10], [sflag:$0x13], $0x2800, $0x38;
	[tilespmem:$0x1A900] =	vst v63  }
0xae: {  	s4 =	simm.s32 @!p0 $0x12  }
0xaf: {  	_ =	swait.ge @!p0 [sflag:s4], $0x2800  }
0xb0: {  	[sflag:s4] =	ssyncset.done @!p0 $0x0  }
0xb1: {  	s10 =	simm.s32 @!p0 $0x13100;
	[sflag:s4] =	ssyncadd.s32 @!p0 $0xFFFFD800;
	s4 =	sadd.s32 @!p0 $0x550, s23  }
0xb2: {  	[tilespmem:s10], [sflag:$0x8] =	stream.indirect.gather @!p0 [hbm4b:s2+s24], $0x80, s4, s24, $0xb8;
	[tilespmem:$0x1A900] =	vst v63  }
.Ltmp2:
0xb3: {  	_ = 	snop;
	(pc) =	sbr.rel @p0 .LBB2_4-.Ltmp2, $4  }
0xb4: {  	_ =	swait.ge [sflag:s17], $0x2800  }
0xb5: {  	[sflag:s17] =	ssyncset.done $0x0  }
0xb6: {  	s28 =	sadd.s32 $0x1400, s19;
	[sflag:s17] =	ssyncadd.s32 $0xFFFFD800  }
0xb7: {  	[hbm4b:s28+s3] =	stream.linear.scatter [tilespmem:s31], [sflag:$0x14], $0x2800, $0x38;
	[tilespmem:$0x1A900] =	vst v63  }
.Ltmp3:
0xb8: {  	(pc) =	sbr.rel .LBB2_2-.Ltmp3, $4  }
0xb9: {  	_ =	swait.ge [sflag:s5], $0x2800  }
0xba: {  	s4 =	sadd.s32 $0x5A0, s21;
	[sflag:s5] =	ssyncset.done $0x0  }
0xbb: {  	s20 =	sadd.s32 $0xC80, s20;
	s19 =	sadd.s32 $0x3200, s19;
	[sflag:s5] =	ssyncadd.s32 $0xFFFFD800  }
0xbc: {  	[tilespmem:s29], [sflag:$0x9] =	stream.indirect.gather [hbm4b:s2+s12], $0x80, s4, s12, $0xb8;
	[tilespmem:$0x1A900] =	vst v63  }
.LBB2_5:
0xbd: {  	_ =	sfence.sel $0x180000  }
0xbe: {  	[bflag:$0x0] =	sbarrier.arrive $0xFFFF  }
0xbf: {  	_ =	strace $0x90000047  }
0xc0: {  	s0 =	stileid.u32;
	[bflag:$0x2] =	sbarrier.arrive $0xFFFF  }
0xc1: {  	p0 =	sne.s32 s0, $0x0;
	s0 =	rddreg [dreg:$0x3]  }
0xc2: {  	s0 =	sadd.s32 @!p0 $0x100000, s0  }
0xc3: {  	[sflag:s0] =	ssyncadd.tile.s32 @!p0 $0x1;
	_ =	shalt  }
.Lfunc_end2:
_tile_overlayer_lowered:
.L_overlay_start_2:
0xc4: {  	(tag) =	ssettag $0x2  }
0xc5: {  	s0 =	rddreg [dreg:$0x0];
	s2 =	stileid.u32  }
0xc6: {  	s1 =	rddreg [dreg:$0x1];
	p0 =	sne.s32 s2, $0x0  }
0xc7: {  	s3 =	rddreg [dreg:$0x2];
	[bflag:$0x3] =	sbarrier.arrive $0xFFFF;
	s2 =	simm.s32 @!p0 $0x1C15  }
0xc8: {  	[timem:s3], [sflag:s2] =	dma.local @!p0 [hbm:s0], s1  }
0xc9: {  	s0 =	simm.s32 @!p0 $0x15  }
0xca: {  	_ =	swait.ge @!p0 [sflag:s0], s1  }
0xcb: {  	s1 =	ssub.s32 @!p0 $0x0, s1;
	[sflag:s0] =	ssyncset.done @!p0 $0x0  }
0xcc: {  	[sflag:s0] =	ssyncadd.s32 @!p0 s1  }
0xcd: {  	[bflag:$0x3] =	sbarrier.arrive $0xFFFF  }
0xce: {  	_ =	shalt  }

</sc_bundles>
